<compile_context>
chip_gen: v7x
topology: tpu7x:2x2x1
jax: 0.10.2.dev20260603
libtpu: 0.0.44.dev20260713+nightly
codegen_flags: <defaults>
</compile_context>

<pallas_src>
import dataclasses
import functools

import jax
import jax.numpy as jnp
from jax.experimental import pallas as pl
from jax.experimental.pallas import tpu as pltpu
from jax.experimental.pallas import tpu_sc as plsc

N = 10000
E = 320000
D = 128
H = 128

NC = 2
NS = 16
NW = NC * NS
EP = E // NW
K = 80
NCHUNK = EP // K
NG = 5
GC = NCHUNK // NG
CW = 128
NP = 10240
RPT = NP // NS

_mesh = plsc.VectorSubcoreMesh(core_axis_name="c", subcore_axis_name="s")


def _make_sc_agg(with_counts):
    if with_counts:
        out_type = (jax.ShapeDtypeStruct((NC, NP, D), jnp.float32),
                    jax.ShapeDtypeStruct((NW, 1, N), jnp.float32))
    else:
        out_type = jax.ShapeDtypeStruct((NC, NP, D), jnp.float32)
    scratch = [
        pltpu.VMEM((GC, K), jnp.int32),
        pltpu.VMEM((GC, K), jnp.int32),
        pltpu.VMEM((K, D), jnp.float32),
        pltpu.VMEM((K, D), jnp.float32),
        pltpu.VMEM_SHARED((NP, D), jnp.float32),
        pltpu.SemaphoreType.DMA,
        pltpu.SemaphoreType.DMA,
    ]
    if with_counts:
        scratch.append(pltpu.VMEM((1, N), jnp.float32))

    def body(*refs):
        if with_counts:
            (x_hbm, src_hbm, dst_hbm, z_hbm, p_hbm, cnt_hbm,
             sidx_all, didx_all, rows0, rows1, acc, g0, g1, cnt_local) = refs
        else:
            (x_hbm, src_hbm, dst_hbm, z_hbm, p_hbm,
             sidx_all, didx_all, rows0, rows1, acc, g0, g1) = refs

        cid = jax.lax.axis_index("c")
        sid = jax.lax.axis_index("s")
        wid = cid * NS + sid

        pltpu.sync_copy(z_hbm, rows0)
        for r in range(RPT // K):
            pltpu.async_copy(rows0, acc.at[pl.ds(sid * RPT + r * K, K)], g0)
        for r in range(RPT // K):
            pltpu.make_async_copy(z_hbm, rows1, g0).wait()

        if with_counts:
            zero16 = jnp.zeros((16,), jnp.float32)

            @pl.loop(0, N // 16)
            def _(i):
                cnt_local[0, pl.ds(i * 16, 16)] = zero16

            izero = jnp.zeros((16,), jnp.int32)
            fone = jnp.full((16,), 1.0, jnp.float32)

            def count_chunk(j):
                @pl.loop(0, K // 16)
                def _(m):
                    dvec = didx_all[j, pl.ds(m * 16, 16)]
                    plsc.addupdate_scatter(cnt_local, [izero, dvec], fone)
        else:
            def count_chunk(j):
                pass

        plsc.subcore_barrier()

        @pl.loop(0, NG)
        def _(g):
            pltpu.sync_copy(src_hbm.at[wid, g], sidx_all)
            pltpu.sync_copy(dst_hbm.at[wid, g], didx_all)
            pltpu.async_copy(x_hbm.at[sidx_all.at[0]], rows0, g0)

            @pl.loop(0, (GC - 1) // 2)
            def _(r):
                j0 = 2 * r
                pltpu.async_copy(x_hbm.at[sidx_all.at[j0 + 1]], rows1, g1)
                pltpu.make_async_copy(z_hbm, rows0, g0).wait()
                pltpu.sync_copy(rows0, acc.at[didx_all.at[j0]], add=True)
                pltpu.async_copy(x_hbm.at[sidx_all.at[j0 + 2]], rows0, g0)
                count_chunk(j0)
                pltpu.make_async_copy(z_hbm, rows1, g1).wait()
                pltpu.sync_copy(rows1, acc.at[didx_all.at[j0 + 1]], add=True)
                count_chunk(j0 + 1)

            pltpu.make_async_copy(z_hbm, rows0, g0).wait()
            pltpu.sync_copy(rows0, acc.at[didx_all.at[GC - 1]], add=True)
            count_chunk(GC - 1)

        plsc.subcore_barrier()

        bufs = (rows0, rows1)
        sems = (g0, g1)
        for r in range(RPT // K):
            b = r % 2
            rbase = sid * RPT + r * K
            if r >= 2:
                pltpu.make_async_copy(z_hbm, bufs[b], sems[b]).wait()
            pltpu.sync_copy(acc.at[pl.ds(rbase, K)], bufs[b])
            pltpu.async_copy(bufs[b], p_hbm.at[cid, pl.ds(rbase, K)], sems[b])
        pltpu.make_async_copy(z_hbm, rows0, g0).wait()
        pltpu.make_async_copy(z_hbm, rows1, g1).wait()

        if with_counts:
            pltpu.sync_copy(cnt_local, cnt_hbm.at[wid])

    cp = pltpu.CompilerParams()
    if with_counts and "needs_layout_passes" in pltpu.CompilerParams.__dataclass_fields__:
        cp = dataclasses.replace(cp, needs_layout_passes=False)
    return functools.partial(
        pl.kernel, out_type=out_type, mesh=_mesh, scratch_types=scratch,
        compiler_params=cp)(body)


_sc_agg_counts = _make_sc_agg(True)
_sc_agg = _make_sc_agg(False)


BN = 1000


def _tc_body(p_ref, cnt_ref, x_ref, wrel_ref, b_ref, wroot_ref, o_ref):
    psum = p_ref[0] + p_ref[1]
    c = jnp.sum(cnt_ref[...], axis=1, keepdims=True)
    agg = psum * (1.0 / jnp.maximum(c, 1.0))
    h = jax.lax.dot_general(agg, wrel_ref[...],
                            (((1,), (1,)), ((), ())),
                            preferred_element_type=jnp.float32)
    h = h + jax.lax.dot_general(x_ref[...], wroot_ref[...],
                                (((1,), (1,)), ((), ())),
                                preferred_element_type=jnp.float32)
    h = h + b_ref[...]
    o_ref[...] = jnp.where(h > 0.0, h, jnp.exp(h) - 1.0)


def _tc_epilogue(p, cnt, x, w_rel, b, w_root):
    return pl.pallas_call(
        _tc_body,
        grid=(N // BN,),
        in_specs=[
            pl.BlockSpec((NC, BN, D), lambda i: (0, i, 0)),
            pl.BlockSpec((BN, NW), lambda i: (i, 0)),
            pl.BlockSpec((BN, D), lambda i: (i, 0)),
            pl.BlockSpec((H, D), lambda i: (0, 0)),
            pl.BlockSpec((1, H), lambda i: (0, 0)),
            pl.BlockSpec((H, D), lambda i: (0, 0)),
        ],
        out_specs=pl.BlockSpec((BN, H), lambda i: (i, 0)),
        out_shape=jax.ShapeDtypeStruct((N, H), jnp.float32),
    )(p, cnt, x, w_rel, b, w_root)


def kernel(node_embedding, edge_index, W_rel1, b1, W_root1, W_rel2, b2, W_root2):
    x = node_embedding
    src = edge_index[0]
    dst = edge_index[1]
    z = jnp.zeros((K, D), jnp.float32)

    src3 = src.reshape(NW, NG, GC, K)
    dst3 = dst.reshape(NW, NG, GC, K)

    p1, cnt32 = _sc_agg_counts(x, src3, dst3, z)
    cnt = cnt32.reshape(NW, N).T
    x1 = _tc_epilogue(p1, cnt, x, W_rel1, b1.reshape(1, H), W_root1)
    p2 = _sc_agg(x1, src3, dst3, z)
    x2 = _tc_epilogue(p2, cnt, x1, W_rel2, b2.reshape(1, H), W_root2)
    return x2

# --- scband reference (transcript-rebuilt; emitter-appended) ---
"""Pipeline reference for scband-gnn-65841848648310 (READ-ONLY COPY).

The authoritative reference and input builder live on the scoring server;
editing this copy changes nothing except your own understanding.
"""

import jax, jax.numpy as jnp
import numpy as np

N = 10000
E = 320000
D = 128
H = 128


def setup_inputs(seed: int = 0) -> dict:
    key = jax.random.key(seed)
    ks = jax.random.split(key, 10)
    node_embedding = jax.random.normal(ks[0], (N, D), dtype=jnp.float32)
    edge_index = jax.random.randint(ks[1], (2, E), 0, N, dtype=jnp.int32)
    s = 1.0 / np.sqrt(D)
    # layer 1: GraphConv(D -> H), aggr='mean'
    W_rel1 = jax.random.uniform(ks[2], (H, D), dtype=jnp.float32, minval=-s, maxval=s)
    b1 = jax.random.uniform(ks[3], (H,), dtype=jnp.float32, minval=-s, maxval=s)
    W_root1 = jax.random.uniform(ks[4], (H, D), dtype=jnp.float32, minval=-s, maxval=s)
    # layer 2: GraphConv(H -> H), aggr='mean'
    s2 = 1.0 / np.sqrt(H)
    W_rel2 = jax.random.uniform(ks[5], (H, H), dtype=jnp.float32, minval=-s2, maxval=s2)
    b2 = jax.random.uniform(ks[6], (H,), dtype=jnp.float32, minval=-s2, maxval=s2)
    W_root2 = jax.random.uniform(ks[7], (H, H), dtype=jnp.float32, minval=-s2, maxval=s2)
    return {
        "node_embedding": node_embedding,
        "edge_index": edge_index,
        "W_rel1": W_rel1, "b1": b1, "W_root1": W_root1,
        "W_rel2": W_rel2, "b2": b2, "W_root2": W_root2,
    }


def _graph_conv_mean(x, edge_index, W_rel, b, W_root):
    # PyG GraphConv: out = lin_rel(aggr_mean_{j in N(i)} x_j) + lin_root(x_i)
    src = edge_index[0]
    dst = edge_index[1]
    msgs = jnp.take(x, src, axis=0)
    agg = jax.ops.segment_sum(msgs, dst, num_segments=N)
    cnt = jax.ops.segment_sum(jnp.ones((msgs.shape[0], 1), dtype=x.dtype), dst, num_segments=N)
    agg = agg / jnp.maximum(cnt, 1.0)
    return agg @ W_rel.T + b + x @ W_root.T


def reference(node_embedding, edge_index, W_rel1, b1, W_root1, W_rel2, b2, W_root2):
    # input_dropout / latent_dropout have p=0 -> identity
    X = node_embedding
    X = jax.nn.elu(_graph_conv_mean(X, edge_index, W_rel1, b1, W_root1))
    X = jax.nn.elu(_graph_conv_mean(X, edge_index, W_rel2, b2, W_root2))
    return X

if __name__ == "__main__":
    import jax
    _d = setup_inputs()
    print(jax.jit(kernel)(*tuple(_d.values())))

</pallas_src>

<mosaic_0001>
#map = affine_map<(d0, d1) -> (0, 0)>
#map1 = affine_map<(d0, d1) -> (0, 0, 0, 0)>
#map2 = affine_map<(d0, d1) -> (0, 0, 0)>
module attributes {stable_mosaic.version = 14 : i64} {
  func.func @body(%arg0: i32, %arg1: i32, %arg2: memref<10000x128xf32, #tpu.memory_space<hbm>>, %arg3: memref<32x5x25x80xi32, #tpu.memory_space<hbm>>, %arg4: memref<32x5x25x80xi32, #tpu.memory_space<hbm>>, %arg5: memref<80x128xf32, #tpu.memory_space<hbm>>, %arg6: memref<2x10240x128xf32, #tpu.memory_space<hbm>>, %arg7: memref<25x80xi32, #tpu.memory_space<vmem>>, %arg8: memref<25x80xi32, #tpu.memory_space<vmem>>, %arg9: memref<80x128xf32, #tpu.memory_space<vmem>>, %arg10: memref<80x128xf32, #tpu.memory_space<vmem>>, %arg11: memref<10240x128xf32, #tpu.memory_space<vmem_shared>>, %arg12: memref<!tpu.dma_semaphore, #tpu.memory_space<semaphore_mem>>, %arg13: memref<!tpu.dma_semaphore, #tpu.memory_space<semaphore_mem>>) attributes {dimension_semantics = [#tpu.dimension_semantics<core_parallel>, #tpu.dimension_semantics<subcore_parallel>], iteration_bounds = array<i64: 2, 16>, scalar_prefetch = 0 : i64, scratch_operands = 7 : i64, tpu.core_type = #tpu.core_type<sc_vector_subcore>, window_params = [{transform_indices = #map}, {transform_indices = #map1}, {transform_indices = #map1}, {transform_indices = #map}, {transform_indices = #map2}]} {
    %mul3A = arith.constant 16 : i32
    %mul3A_0 = arith.muli %arg0, %mul3A : i32
    %add3A = arith.addi %mul3A_0, %arg1 : i32
    "tpu.region"() ({
      %run_scoped3A = tpu.sem_alloc : memref<!tpu.dma_semaphore, #tpu.memory_space<semaphore_mem>>
      tpu.enqueue_dma source(%arg5 : memref<80x128xf32, #tpu.memory_space<hbm>>) target(%arg9 : memref<80x128xf32, #tpu.memory_space<vmem>>) target_semaphore(%run_scoped3A : memref<!tpu.dma_semaphore, #tpu.memory_space<semaphore_mem>>)
      tpu.wait_dma2 semaphore(%run_scoped3A : memref<!tpu.dma_semaphore, #tpu.memory_space<semaphore_mem>>) src(%arg5 : memref<80x128xf32, #tpu.memory_space<hbm>>) dst(%arg9 : memref<80x128xf32, #tpu.memory_space<vmem>>)
      tpu.yield
    }) : () -> ()
    %mul3A_1 = arith.constant 640 : i32
    %mul3A_2 = arith.muli %arg1, %mul3A_1 : i32
    %add3A_3 = arith.constant 0 : i32
    %add3A_4 = arith.addi %mul3A_2, %add3A_3 : i32
    %dma_start3A = arith.constant 0 : i32
    %dma_start3A_5 = tpu.memref_slice %arg11[%add3A_4, %dma_start3A] : memref<10240x128xf32, #tpu.memory_space<vmem_shared>> -> memref<80x128xf32, #tpu.memory_space<vmem_shared>>
    %dma_start3A_6 = arith.constant 0 : i32
    %dma_start3A_7 = tpu.memref_slice %arg11[%add3A_4, %dma_start3A_6] : memref<10240x128xf32, #tpu.memory_space<vmem_shared>> -> memref<80x128xf32, #tpu.memory_space<vmem_shared>>
    tpu.enqueue_dma source(%arg9 : memref<80x128xf32, #tpu.memory_space<vmem>>) target(%dma_start3A_7 : memref<80x128xf32, #tpu.memory_space<vmem_shared>>) target_semaphore(%arg12 : memref<!tpu.dma_semaphore, #tpu.memory_space<semaphore_mem>>)
    %mul3A_8 = arith.constant 640 : i32
    %mul3A_9 = arith.muli %arg1, %mul3A_8 : i32
    %add3A_10 = arith.constant 80 : i32
    %add3A_11 = arith.addi %mul3A_9, %add3A_10 : i32
    %dma_start3A_12 = arith.constant 0 : i32
    %dma_start3A_13 = tpu.memref_slice %arg11[%add3A_11, %dma_start3A_12] : memref<10240x128xf32, #tpu.memory_space<vmem_shared>> -> memref<80x128xf32, #tpu.memory_space<vmem_shared>>
    %dma_start3A_14 = arith.constant 0 : i32
    %dma_start3A_15 = tpu.memref_slice %arg11[%add3A_11, %dma_start3A_14] : memref<10240x128xf32, #tpu.memory_space<vmem_shared>> -> memref<80x128xf32, #tpu.memory_space<vmem_shared>>
    tpu.enqueue_dma source(%arg9 : memref<80x128xf32, #tpu.memory_space<vmem>>) target(%dma_start3A_15 : memref<80x128xf32, #tpu.memory_space<vmem_shared>>) target_semaphore(%arg12 : memref<!tpu.dma_semaphore, #tpu.memory_space<semaphore_mem>>)
    %mul3A_16 = arith.constant 640 : i32
    %mul3A_17 = arith.muli %arg1, %mul3A_16 : i32
    %add3A_18 = arith.constant 160 : i32
    %add3A_19 = arith.addi %mul3A_17, %add3A_18 : i32
    %dma_start3A_20 = arith.constant 0 : i32
    %dma_start3A_21 = tpu.memref_slice %arg11[%add3A_19, %dma_start3A_20] : memref<10240x128xf32, #tpu.memory_space<vmem_shared>> -> memref<80x128xf32, #tpu.memory_space<vmem_shared>>
    %dma_start3A_22 = arith.constant 0 : i32
    %dma_start3A_23 = tpu.memref_slice %arg11[%add3A_19, %dma_start3A_22] : memref<10240x128xf32, #tpu.memory_space<vmem_shared>> -> memref<80x128xf32, #tpu.memory_space<vmem_shared>>
    tpu.enqueue_dma source(%arg9 : memref<80x128xf32, #tpu.memory_space<vmem>>) target(%dma_start3A_23 : memref<80x128xf32, #tpu.memory_space<vmem_shared>>) target_semaphore(%arg12 : memref<!tpu.dma_semaphore, #tpu.memory_space<semaphore_mem>>)
    %mul3A_24 = arith.constant 640 : i32
    %mul3A_25 = arith.muli %arg1, %mul3A_24 : i32
    %add3A_26 = arith.constant 240 : i32
    %add3A_27 = arith.addi %mul3A_25, %add3A_26 : i32
    %dma_start3A_28 = arith.constant 0 : i32
    %dma_start3A_29 = tpu.memref_slice %arg11[%add3A_27, %dma_start3A_28] : memref<10240x128xf32, #tpu.memory_space<vmem_shared>> -> memref<80x128xf32, #tpu.memory_space<vmem_shared>>
    %dma_start3A_30 = arith.constant 0 : i32
    %dma_start3A_31 = tpu.memref_slice %arg11[%add3A_27, %dma_start3A_30] : memref<10240x128xf32, #tpu.memory_space<vmem_shared>> -> memref<80x128xf32, #tpu.memory_space<vmem_shared>>
    tpu.enqueue_dma source(%arg9 : memref<80x128xf32, #tpu.memory_space<vmem>>) target(%dma_start3A_31 : memref<80x128xf32, #tpu.memory_space<vmem_shared>>) target_semaphore(%arg12 : memref<!tpu.dma_semaphore, #tpu.memory_space<semaphore_mem>>)
    %mul3A_32 = arith.constant 640 : i32
    %mul3A_33 = arith.muli %arg1, %mul3A_32 : i32
    %add3A_34 = arith.constant 320 : i32
    %add3A_35 = arith.addi %mul3A_33, %add3A_34 : i32
    %dma_start3A_36 = arith.constant 0 : i32
    %dma_start3A_37 = tpu.memref_slice %arg11[%add3A_35, %dma_start3A_36] : memref<10240x128xf32, #tpu.memory_space<vmem_shared>> -> memref<80x128xf32, #tpu.memory_space<vmem_shared>>
    %dma_start3A_38 = arith.constant 0 : i32
    %dma_start3A_39 = tpu.memref_slice %arg11[%add3A_35, %dma_start3A_38] : memref<10240x128xf32, #tpu.memory_space<vmem_shared>> -> memref<80x128xf32, #tpu.memory_space<vmem_shared>>
    tpu.enqueue_dma source(%arg9 : memref<80x128xf32, #tpu.memory_space<vmem>>) target(%dma_start3A_39 : memref<80x128xf32, #tpu.memory_space<vmem_shared>>) target_semaphore(%arg12 : memref<!tpu.dma_semaphore, #tpu.memory_space<semaphore_mem>>)
    %mul3A_40 = arith.constant 640 : i32
    %mul3A_41 = arith.muli %arg1, %mul3A_40 : i32
    %add3A_42 = arith.constant 400 : i32
    %add3A_43 = arith.addi %mul3A_41, %add3A_42 : i32
    %dma_start3A_44 = arith.constant 0 : i32
    %dma_start3A_45 = tpu.memref_slice %arg11[%add3A_43, %dma_start3A_44] : memref<10240x128xf32, #tpu.memory_space<vmem_shared>> -> memref<80x128xf32, #tpu.memory_space<vmem_shared>>
    %dma_start3A_46 = arith.constant 0 : i32
    %dma_start3A_47 = tpu.memref_slice %arg11[%add3A_43, %dma_start3A_46] : memref<10240x128xf32, #tpu.memory_space<vmem_shared>> -> memref<80x128xf32, #tpu.memory_space<vmem_shared>>
    tpu.enqueue_dma source(%arg9 : memref<80x128xf32, #tpu.memory_space<vmem>>) target(%dma_start3A_47 : memref<80x128xf32, #tpu.memory_space<vmem_shared>>) target_semaphore(%arg12 : memref<!tpu.dma_semaphore, #tpu.memory_space<semaphore_mem>>)
    %mul3A_48 = arith.constant 640 : i32
    %mul3A_49 = arith.muli %arg1, %mul3A_48 : i32
    %add3A_50 = arith.constant 480 : i32
    %add3A_51 = arith.addi %mul3A_49, %add3A_50 : i32
    %dma_start3A_52 = arith.constant 0 : i32
    %dma_start3A_53 = tpu.memref_slice %arg11[%add3A_51, %dma_start3A_52] : memref<10240x128xf32, #tpu.memory_space<vmem_shared>> -> memref<80x128xf32, #tpu.memory_space<vmem_shared>>
    %dma_start3A_54 = arith.constant 0 : i32
    %dma_start3A_55 = tpu.memref_slice %arg11[%add3A_51, %dma_start3A_54] : memref<10240x128xf32, #tpu.memory_space<vmem_shared>> -> memref<80x128xf32, #tpu.memory_space<vmem_shared>>
    tpu.enqueue_dma source(%arg9 : memref<80x128xf32, #tpu.memory_space<vmem>>) target(%dma_start3A_55 : memref<80x128xf32, #tpu.memory_space<vmem_shared>>) target_semaphore(%arg12 : memref<!tpu.dma_semaphore, #tpu.memory_space<semaphore_mem>>)
    %mul3A_56 = arith.constant 640 : i32
    %mul3A_57 = arith.muli %arg1, %mul3A_56 : i32
    %add3A_58 = arith.constant 560 : i32
    %add3A_59 = arith.addi %mul3A_57, %add3A_58 : i32
    %dma_start3A_60 = arith.constant 0 : i32
    %dma_start3A_61 = tpu.memref_slice %arg11[%add3A_59, %dma_start3A_60] : memref<10240x128xf32, #tpu.memory_space<vmem_shared>> -> memref<80x128xf32, #tpu.memory_space<vmem_shared>>
    %dma_start3A_62 = arith.constant 0 : i32
    %dma_start3A_63 = tpu.memref_slice %arg11[%add3A_59, %dma_start3A_62] : memref<10240x128xf32, #tpu.memory_space<vmem_shared>> -> memref<80x128xf32, #tpu.memory_space<vmem_shared>>
    tpu.enqueue_dma source(%arg9 : memref<80x128xf32, #tpu.memory_space<vmem>>) target(%dma_start3A_63 : memref<80x128xf32, #tpu.memory_space<vmem_shared>>) target_semaphore(%arg12 : memref<!tpu.dma_semaphore, #tpu.memory_space<semaphore_mem>>)
    tpu.wait_dma2 semaphore(%arg12 : memref<!tpu.dma_semaphore, #tpu.memory_space<semaphore_mem>>) src(%arg5 : memref<80x128xf32, #tpu.memory_space<hbm>>) dst(%arg10 : memref<80x128xf32, #tpu.memory_space<vmem>>)
    tpu.wait_dma2 semaphore(%arg12 : memref<!tpu.dma_semaphore, #tpu.memory_space<semaphore_mem>>) src(%arg5 : memref<80x128xf32, #tpu.memory_space<hbm>>) dst(%arg10 : memref<80x128xf32, #tpu.memory_space<vmem>>)
    tpu.wait_dma2 semaphore(%arg12 : memref<!tpu.dma_semaphore, #tpu.memory_space<semaphore_mem>>) src(%arg5 : memref<80x128xf32, #tpu.memory_space<hbm>>) dst(%arg10 : memref<80x128xf32, #tpu.memory_space<vmem>>)
    tpu.wait_dma2 semaphore(%arg12 : memref<!tpu.dma_semaphore, #tpu.memory_space<semaphore_mem>>) src(%arg5 : memref<80x128xf32, #tpu.memory_space<hbm>>) dst(%arg10 : memref<80x128xf32, #tpu.memory_space<vmem>>)
    tpu.wait_dma2 semaphore(%arg12 : memref<!tpu.dma_semaphore, #tpu.memory_space<semaphore_mem>>) src(%arg5 : memref<80x128xf32, #tpu.memory_space<hbm>>) dst(%arg10 : memref<80x128xf32, #tpu.memory_space<vmem>>)
    tpu.wait_dma2 semaphore(%arg12 : memref<!tpu.dma_semaphore, #tpu.memory_space<semaphore_mem>>) src(%arg5 : memref<80x128xf32, #tpu.memory_space<hbm>>) dst(%arg10 : memref<80x128xf32, #tpu.memory_space<vmem>>)
    tpu.wait_dma2 semaphore(%arg12 : memref<!tpu.dma_semaphore, #tpu.memory_space<semaphore_mem>>) src(%arg5 : memref<80x128xf32, #tpu.memory_space<hbm>>) dst(%arg10 : memref<80x128xf32, #tpu.memory_space<vmem>>)
    tpu.wait_dma2 semaphore(%arg12 : memref<!tpu.dma_semaphore, #tpu.memory_space<semaphore_mem>>) src(%arg5 : memref<80x128xf32, #tpu.memory_space<hbm>>) dst(%arg10 : memref<80x128xf32, #tpu.memory_space<vmem>>)
    %barrier3A = arith.constant 0 : index
    tpu.barrier barrier_id(%barrier3A)
    %scan3A = arith.constant 0 : i32
    %scan3A_64 = arith.constant 5 : i32
    %scan3A_65 = arith.addi %scan3A, %scan3A_64 : i32
    %scan3A_66 = arith.constant 1 : i32
    scf.for %scan3A_149 = %scan3A to %scan3A_65 step %scan3A_66  : i32 {
      %mul3A_150 = arith.constant 1 : i32
      %mul3A_151 = arith.muli %scan3A_149, %mul3A_150 : i32
      %add3A_152 = arith.constant 0 : i32
      %add3A_153 = arith.addi %add3A_152, %mul3A_151 : i32
      "tpu.region"() ({
        %run_scoped3A_166 = tpu.sem_alloc : memref<!tpu.dma_semaphore, #tpu.memory_space<semaphore_mem>>
        %dma_start3A_167 = arith.constant 0 : i32
        %dma_start3A_168 = arith.constant 0 : i32
        %dma_start3A_169 = tpu.memref_slice %arg3[%add3A, %add3A_153, %dma_start3A_167, %dma_start3A_168] : memref<32x5x25x80xi32, #tpu.memory_space<hbm>> -> memref<1x1x25x80xi32, #tpu.memory_space<hbm>>
        %dma_start3A_170 = tpu.memref_squeeze %dma_start3A_169 : memref<1x1x25x80xi32, #tpu.memory_space<hbm>> -> memref<25x80xi32, #tpu.memory_space<hbm>>
        %dma_start3A_171 = arith.constant 0 : i32
        %dma_start3A_172 = arith.constant 0 : i32
        %dma_start3A_173 = tpu.memref_slice %arg3[%add3A, %add3A_153, %dma_start3A_171, %dma_start3A_172] : memref<32x5x25x80xi32, #tpu.memory_space<hbm>> -> memref<1x1x25x80xi32, #tpu.memory_space<hbm>>
        %dma_start3A_174 = tpu.memref_squeeze %dma_start3A_173 : memref<1x1x25x80xi32, #tpu.memory_space<hbm>> -> memref<25x80xi32, #tpu.memory_space<hbm>>
        tpu.enqueue_dma source(%dma_start3A_174 : memref<25x80xi32, #tpu.memory_space<hbm>>) target(%arg7 : memref<25x80xi32, #tpu.memory_space<vmem>>) target_semaphore(%run_scoped3A_166 : memref<!tpu.dma_semaphore, #tpu.memory_space<semaphore_mem>>)
        %dma_wait3A = arith.constant 0 : i32
        %dma_wait3A_175 = arith.constant 0 : i32
        %dma_wait3A_176 = tpu.memref_slice %arg3[%add3A, %add3A_153, %dma_wait3A, %dma_wait3A_175] : memref<32x5x25x80xi32, #tpu.memory_space<hbm>> -> memref<1x1x25x80xi32, #tpu.memory_space<hbm>>
        %dma_wait3A_177 = tpu.memref_squeeze %dma_wait3A_176 : memref<1x1x25x80xi32, #tpu.memory_space<hbm>> -> memref<25x80xi32, #tpu.memory_space<hbm>>
        %dma_wait3A_178 = arith.constant 0 : i32
        %dma_wait3A_179 = arith.constant 0 : i32
        %dma_wait3A_180 = tpu.memref_slice %arg3[%add3A, %add3A_153, %dma_wait3A_178, %dma_wait3A_179] : memref<32x5x25x80xi32, #tpu.memory_space<hbm>> -> memref<1x1x25x80xi32, #tpu.memory_space<hbm>>
        %dma_wait3A_181 = tpu.memref_squeeze %dma_wait3A_180 : memref<1x1x25x80xi32, #tpu.memory_space<hbm>> -> memref<25x80xi32, #tpu.memory_space<hbm>>
        tpu.wait_dma2 semaphore(%run_scoped3A_166 : memref<!tpu.dma_semaphore, #tpu.memory_space<semaphore_mem>>) src(%dma_wait3A_181 : memref<25x80xi32, #tpu.memory_space<hbm>>) dst(%arg7 : memref<25x80xi32, #tpu.memory_space<vmem>>)
        tpu.yield
      }) : () -> ()
      "tpu.region"() ({
        %run_scoped3A_166 = tpu.sem_alloc : memref<!tpu.dma_semaphore, #tpu.memory_space<semaphore_mem>>
        %dma_start3A_167 = arith.constant 0 : i32
        %dma_start3A_168 = arith.constant 0 : i32
        %dma_start3A_169 = tpu.memref_slice %arg4[%add3A, %add3A_153, %dma_start3A_167, %dma_start3A_168] : memref<32x5x25x80xi32, #tpu.memory_space<hbm>> -> memref<1x1x25x80xi32, #tpu.memory_space<hbm>>
        %dma_start3A_170 = tpu.memref_squeeze %dma_start3A_169 : memref<1x1x25x80xi32, #tpu.memory_space<hbm>> -> memref<25x80xi32, #tpu.memory_space<hbm>>
        %dma_start3A_171 = arith.constant 0 : i32
        %dma_start3A_172 = arith.constant 0 : i32
        %dma_start3A_173 = tpu.memref_slice %arg4[%add3A, %add3A_153, %dma_start3A_171, %dma_start3A_172] : memref<32x5x25x80xi32, #tpu.memory_space<hbm>> -> memref<1x1x25x80xi32, #tpu.memory_space<hbm>>
        %dma_start3A_174 = tpu.memref_squeeze %dma_start3A_173 : memref<1x1x25x80xi32, #tpu.memory_space<hbm>> -> memref<25x80xi32, #tpu.memory_space<hbm>>
        tpu.enqueue_dma source(%dma_start3A_174 : memref<25x80xi32, #tpu.memory_space<hbm>>) target(%arg8 : memref<25x80xi32, #tpu.memory_space<vmem>>) target_semaphore(%run_scoped3A_166 : memref<!tpu.dma_semaphore, #tpu.memory_space<semaphore_mem>>)
        %dma_wait3A = arith.constant 0 : i32
        %dma_wait3A_175 = arith.constant 0 : i32
        %dma_wait3A_176 = tpu.memref_slice %arg4[%add3A, %add3A_153, %dma_wait3A, %dma_wait3A_175] : memref<32x5x25x80xi32, #tpu.memory_space<hbm>> -> memref<1x1x25x80xi32, #tpu.memory_space<hbm>>
        %dma_wait3A_177 = tpu.memref_squeeze %dma_wait3A_176 : memref<1x1x25x80xi32, #tpu.memory_space<hbm>> -> memref<25x80xi32, #tpu.memory_space<hbm>>
        %dma_wait3A_178 = arith.constant 0 : i32
        %dma_wait3A_179 = arith.constant 0 : i32
        %dma_wait3A_180 = tpu.memref_slice %arg4[%add3A, %add3A_153, %dma_wait3A_178, %dma_wait3A_179] : memref<32x5x25x80xi32, #tpu.memory_space<hbm>> -> memref<1x1x25x80xi32, #tpu.memory_space<hbm>>
        %dma_wait3A_181 = tpu.memref_squeeze %dma_wait3A_180 : memref<1x1x25x80xi32, #tpu.memory_space<hbm>> -> memref<25x80xi32, #tpu.memory_space<hbm>>
        tpu.wait_dma2 semaphore(%run_scoped3A_166 : memref<!tpu.dma_semaphore, #tpu.memory_space<semaphore_mem>>) src(%dma_wait3A_181 : memref<25x80xi32, #tpu.memory_space<hbm>>) dst(%arg8 : memref<25x80xi32, #tpu.memory_space<vmem>>)
        tpu.yield
      }) : () -> ()
      %dma_start3A_154 = arith.constant 0 : i32
      %dma_start3A_155 = arith.constant 0 : i32
      %dma_start3A_156 = tpu.memref_slice %arg7[%dma_start3A_154, %dma_start3A_155] : memref<25x80xi32, #tpu.memory_space<vmem>> -> memref<1x80xi32, #tpu.memory_space<vmem>>
      %dma_start3A_157 = tpu.memref_squeeze %dma_start3A_156 : memref<1x80xi32, #tpu.memory_space<vmem>> -> memref<80xi32, #tpu.memory_space<vmem>>
      %dma_start3A_158 = arith.constant 0 : i32
      %dma_start3A_159 = arith.constant 0 : i32
      %dma_start3A_160 = tpu.memref_slice %arg2[%dma_start3A_158, %dma_start3A_159] : memref<10000x128xf32, #tpu.memory_space<hbm>> -> memref<10000x128xf32, #tpu.memory_space<hbm>>
      tpu.enqueue_indirect_dma source(%dma_start3A_160 : memref<10000x128xf32, #tpu.memory_space<hbm>>) target(%arg9 : memref<80x128xf32, #tpu.memory_space<vmem>>) offsets(%dma_start3A_157 : memref<80xi32, #tpu.memory_space<vmem>>) semaphore(%arg12 : memref<!tpu.dma_semaphore, #tpu.memory_space<semaphore_mem>>)
      %scan3A_161 = arith.constant 0 : i32
      %scan3A_162 = arith.constant 12 : i32
      %scan3A_163 = arith.addi %scan3A_161, %scan3A_162 : i32
      %scan3A_164 = arith.constant 1 : i32
      scf.for %scan3A_166 = %scan3A_161 to %scan3A_163 step %scan3A_164  : i32 {
        %mul3A_167 = arith.constant 1 : i32
        %mul3A_168 = arith.muli %scan3A_166, %mul3A_167 : i32
        %add3A_169 = arith.constant 0 : i32
        %add3A_170 = arith.addi %add3A_169, %mul3A_168 : i32
        %mul3A_171 = arith.constant 2 : i32
        %mul3A_172 = arith.muli %mul3A_171, %add3A_170 : i32
        %add3A_173 = arith.constant 1 : i32
        %add3A_174 = arith.addi %mul3A_172, %add3A_173 : i32
        %dma_start3A_175 = arith.constant 0 : i32
        %dma_start3A_176 = tpu.memref_slice %arg7[%add3A_174, %dma_start3A_175] : memref<25x80xi32, #tpu.memory_space<vmem>> -> memref<1x80xi32, #tpu.memory_space<vmem>>
        %dma_start3A_177 = tpu.memref_squeeze %dma_start3A_176 : memref<1x80xi32, #tpu.memory_space<vmem>> -> memref<80xi32, #tpu.memory_space<vmem>>
        %dma_start3A_178 = arith.constant 0 : i32
        %dma_start3A_179 = arith.constant 0 : i32
        %dma_start3A_180 = tpu.memref_slice %arg2[%dma_start3A_178, %dma_start3A_179] : memref<10000x128xf32, #tpu.memory_space<hbm>> -> memref<10000x128xf32, #tpu.memory_space<hbm>>
        tpu.enqueue_indirect_dma source(%dma_start3A_180 : memref<10000x128xf32, #tpu.memory_space<hbm>>) target(%arg10 : memref<80x128xf32, #tpu.memory_space<vmem>>) offsets(%dma_start3A_177 : memref<80xi32, #tpu.memory_space<vmem>>) semaphore(%arg13 : memref<!tpu.dma_semaphore, #tpu.memory_space<semaphore_mem>>)
        tpu.wait_dma2 semaphore(%arg12 : memref<!tpu.dma_semaphore, #tpu.memory_space<semaphore_mem>>) src(%arg5 : memref<80x128xf32, #tpu.memory_space<hbm>>) dst(%arg9 : memref<80x128xf32, #tpu.memory_space<vmem>>)
        "tpu.region"() ({
          %run_scoped3A_193 = tpu.sem_alloc : memref<!tpu.dma_semaphore, #tpu.memory_space<semaphore_mem>>
          %dma_start3A_194 = arith.constant 0 : i32
          %dma_start3A_195 = tpu.memref_slice %arg8[%mul3A_172, %dma_start3A_194] : memref<25x80xi32, #tpu.memory_space<vmem>> -> memref<1x80xi32, #tpu.memory_space<vmem>>
          %dma_start3A_196 = tpu.memref_squeeze %dma_start3A_195 : memref<1x80xi32, #tpu.memory_space<vmem>> -> memref<80xi32, #tpu.memory_space<vmem>>
          %dma_start3A_197 = arith.constant 0 : i32
          %dma_start3A_198 = arith.constant 0 : i32
          %dma_start3A_199 = tpu.memref_slice %arg11[%dma_start3A_197, %dma_start3A_198] : memref<10240x128xf32, #tpu.memory_space<vmem_shared>> -> memref<10240x128xf32, #tpu.memory_space<vmem_shared>>
          tpu.enqueue_indirect_dma source(%arg9 : memref<80x128xf32, #tpu.memory_space<vmem>>) target(%dma_start3A_199 : memref<10240x128xf32, #tpu.memory_space<vmem_shared>>) offsets(%dma_start3A_196 : memref<80xi32, #tpu.memory_space<vmem>>) semaphore(%run_scoped3A_193 : memref<!tpu.dma_semaphore, #tpu.memory_space<semaphore_mem>>) {add = true}
          %dma_wait3A = arith.constant 0 : i32
          %dma_wait3A_200 = tpu.memref_slice %arg8[%mul3A_172, %dma_wait3A] : memref<25x80xi32, #tpu.memory_space<vmem>> -> memref<1x80xi32, #tpu.memory_space<vmem>>
          %dma_wait3A_201 = tpu.memref_squeeze %dma_wait3A_200 : memref<1x80xi32, #tpu.memory_space<vmem>> -> memref<80xi32, #tpu.memory_space<vmem>>
          %dma_wait3A_202 = arith.constant 0 : i32
          %dma_wait3A_203 = arith.constant 0 : i32
          %dma_wait3A_204 = tpu.memref_slice %arg11[%dma_wait3A_202, %dma_wait3A_203] : memref<10240x128xf32, #tpu.memory_space<vmem_shared>> -> memref<10240x128xf32, #tpu.memory_space<vmem_shared>>
          tpu.wait_indirect_dma semaphore(%run_scoped3A_193 : memref<!tpu.dma_semaphore, #tpu.memory_space<semaphore_mem>>) src(%arg9 : memref<80x128xf32, #tpu.memory_space<vmem>>) dst(%dma_wait3A_204 : memref<10240x128xf32, #tpu.memory_space<vmem_shared>>)
          tpu.yield
        }) : () -> ()
        %add3A_181 = arith.constant 2 : i32
        %add3A_182 = arith.addi %mul3A_172, %add3A_181 : i32
        %dma_start3A_183 = arith.constant 0 : i32
        %dma_start3A_184 = tpu.memref_slice %arg7[%add3A_182, %dma_start3A_183] : memref<25x80xi32, #tpu.memory_space<vmem>> -> memref<1x80xi32, #tpu.memory_space<vmem>>
        %dma_start3A_185 = tpu.memref_squeeze %dma_start3A_184 : memref<1x80xi32, #tpu.memory_space<vmem>> -> memref<80xi32, #tpu.memory_space<vmem>>
        %dma_start3A_186 = arith.constant 0 : i32
        %dma_start3A_187 = arith.constant 0 : i32
        %dma_start3A_188 = tpu.memref_slice %arg2[%dma_start3A_186, %dma_start3A_187] : memref<10000x128xf32, #tpu.memory_space<hbm>> -> memref<10000x128xf32, #tpu.memory_space<hbm>>
        tpu.enqueue_indirect_dma source(%dma_start3A_188 : memref<10000x128xf32, #tpu.memory_space<hbm>>) target(%arg9 : memref<80x128xf32, #tpu.memory_space<vmem>>) offsets(%dma_start3A_185 : memref<80xi32, #tpu.memory_space<vmem>>) semaphore(%arg12 : memref<!tpu.dma_semaphore, #tpu.memory_space<semaphore_mem>>)
        tpu.wait_dma2 semaphore(%arg13 : memref<!tpu.dma_semaphore, #tpu.memory_space<semaphore_mem>>) src(%arg5 : memref<80x128xf32, #tpu.memory_space<hbm>>) dst(%arg10 : memref<80x128xf32, #tpu.memory_space<vmem>>)
        %add3A_189 = arith.constant 1 : i32
        %add3A_190 = arith.addi %mul3A_172, %add3A_189 : i32
        "tpu.region"() ({
          %run_scoped3A_193 = tpu.sem_alloc : memref<!tpu.dma_semaphore, #tpu.memory_space<semaphore_mem>>
          %dma_start3A_194 = arith.constant 0 : i32
          %dma_start3A_195 = tpu.memref_slice %arg8[%add3A_190, %dma_start3A_194] : memref<25x80xi32, #tpu.memory_space<vmem>> -> memref<1x80xi32, #tpu.memory_space<vmem>>
          %dma_start3A_196 = tpu.memref_squeeze %dma_start3A_195 : memref<1x80xi32, #tpu.memory_space<vmem>> -> memref<80xi32, #tpu.memory_space<vmem>>
          %dma_start3A_197 = arith.constant 0 : i32
          %dma_start3A_198 = arith.constant 0 : i32
          %dma_start3A_199 = tpu.memref_slice %arg11[%dma_start3A_197, %dma_start3A_198] : memref<10240x128xf32, #tpu.memory_space<vmem_shared>> -> memref<10240x128xf32, #tpu.memory_space<vmem_shared>>
          tpu.enqueue_indirect_dma source(%arg10 : memref<80x128xf32, #tpu.memory_space<vmem>>) target(%dma_start3A_199 : memref<10240x128xf32, #tpu.memory_space<vmem_shared>>) offsets(%dma_start3A_196 : memref<80xi32, #tpu.memory_space<vmem>>) semaphore(%run_scoped3A_193 : memref<!tpu.dma_semaphore, #tpu.memory_space<semaphore_mem>>) {add = true}
          %dma_wait3A = arith.constant 0 : i32
          %dma_wait3A_200 = tpu.memref_slice %arg8[%add3A_190, %dma_wait3A] : memref<25x80xi32, #tpu.memory_space<vmem>> -> memref<1x80xi32, #tpu.memory_space<vmem>>
          %dma_wait3A_201 = tpu.memref_squeeze %dma_wait3A_200 : memref<1x80xi32, #tpu.memory_space<vmem>> -> memref<80xi32, #tpu.memory_space<vmem>>
          %dma_wait3A_202 = arith.constant 0 : i32
          %dma_wait3A_203 = arith.constant 0 : i32
          %dma_wait3A_204 = tpu.memref_slice %arg11[%dma_wait3A_202, %dma_wait3A_203] : memref<10240x128xf32, #tpu.memory_space<vmem_shared>> -> memref<10240x128xf32, #tpu.memory_space<vmem_shared>>
          tpu.wait_indirect_dma semaphore(%run_scoped3A_193 : memref<!tpu.dma_semaphore, #tpu.memory_space<semaphore_mem>>) src(%arg10 : memref<80x128xf32, #tpu.memory_space<vmem>>) dst(%dma_wait3A_204 : memref<10240x128xf32, #tpu.memory_space<vmem_shared>>)
          tpu.yield
        }) : () -> ()
        %add3A_191 = arith.constant 1 : i32
        %add3A_192 = arith.addi %mul3A_172, %add3A_191 : i32
      }
      %scan3A_165 = arith.constant 12 : i32
      tpu.wait_dma2 semaphore(%arg12 : memref<!tpu.dma_semaphore, #tpu.memory_space<semaphore_mem>>) src(%arg5 : memref<80x128xf32, #tpu.memory_space<hbm>>) dst(%arg9 : memref<80x128xf32, #tpu.memory_space<vmem>>)
      %run_scoped3A = arith.constant 24 : i32
      "tpu.region"() ({
        %run_scoped3A_166 = tpu.sem_alloc : memref<!tpu.dma_semaphore, #tpu.memory_space<semaphore_mem>>
        %dma_start3A_167 = arith.constant 0 : i32
        %dma_start3A_168 = tpu.memref_slice %arg8[%run_scoped3A, %dma_start3A_167] : memref<25x80xi32, #tpu.memory_space<vmem>> -> memref<1x80xi32, #tpu.memory_space<vmem>>
        %dma_start3A_169 = tpu.memref_squeeze %dma_start3A_168 : memref<1x80xi32, #tpu.memory_space<vmem>> -> memref<80xi32, #tpu.memory_space<vmem>>
        %dma_start3A_170 = arith.constant 0 : i32
        %dma_start3A_171 = arith.constant 0 : i32
        %dma_start3A_172 = tpu.memref_slice %arg11[%dma_start3A_170, %dma_start3A_171] : memref<10240x128xf32, #tpu.memory_space<vmem_shared>> -> memref<10240x128xf32, #tpu.memory_space<vmem_shared>>
        tpu.enqueue_indirect_dma source(%arg9 : memref<80x128xf32, #tpu.memory_space<vmem>>) target(%dma_start3A_172 : memref<10240x128xf32, #tpu.memory_space<vmem_shared>>) offsets(%dma_start3A_169 : memref<80xi32, #tpu.memory_space<vmem>>) semaphore(%run_scoped3A_166 : memref<!tpu.dma_semaphore, #tpu.memory_space<semaphore_mem>>) {add = true}
        %dma_wait3A = arith.constant 0 : i32
        %dma_wait3A_173 = tpu.memref_slice %arg8[%run_scoped3A, %dma_wait3A] : memref<25x80xi32, #tpu.memory_space<vmem>> -> memref<1x80xi32, #tpu.memory_space<vmem>>
        %dma_wait3A_174 = tpu.memref_squeeze %dma_wait3A_173 : memref<1x80xi32, #tpu.memory_space<vmem>> -> memref<80xi32, #tpu.memory_space<vmem>>
        %dma_wait3A_175 = arith.constant 0 : i32
        %dma_wait3A_176 = arith.constant 0 : i32
        %dma_wait3A_177 = tpu.memref_slice %arg11[%dma_wait3A_175, %dma_wait3A_176] : memref<10240x128xf32, #tpu.memory_space<vmem_shared>> -> memref<10240x128xf32, #tpu.memory_space<vmem_shared>>
        tpu.wait_indirect_dma semaphore(%run_scoped3A_166 : memref<!tpu.dma_semaphore, #tpu.memory_space<semaphore_mem>>) src(%arg9 : memref<80x128xf32, #tpu.memory_space<vmem>>) dst(%dma_wait3A_177 : memref<10240x128xf32, #tpu.memory_space<vmem_shared>>)
        tpu.yield
      }) : () -> ()
    }
    %scan3A_67 = arith.constant 5 : i32
    %barrier3A_68 = arith.constant 0 : index
    tpu.barrier barrier_id(%barrier3A_68)
    %mul3A_69 = arith.constant 640 : i32
    %mul3A_70 = arith.muli %arg1, %mul3A_69 : i32
    %add3A_71 = arith.constant 0 : i32
    %add3A_72 = arith.addi %mul3A_70, %add3A_71 : i32
    "tpu.region"() ({
      %run_scoped3A = tpu.sem_alloc : memref<!tpu.dma_semaphore, #tpu.memory_space<semaphore_mem>>
      %dma_start3A_149 = arith.constant 0 : i32
      %dma_start3A_150 = tpu.memref_slice %arg11[%add3A_72, %dma_start3A_149] : memref<10240x128xf32, #tpu.memory_space<vmem_shared>> -> memref<80x128xf32, #tpu.memory_space<vmem_shared>>
      %dma_start3A_151 = arith.constant 0 : i32
      %dma_start3A_152 = tpu.memref_slice %arg11[%add3A_72, %dma_start3A_151] : memref<10240x128xf32, #tpu.memory_space<vmem_shared>> -> memref<80x128xf32, #tpu.memory_space<vmem_shared>>
      tpu.enqueue_dma source(%dma_start3A_152 : memref<80x128xf32, #tpu.memory_space<vmem_shared>>) target(%arg9 : memref<80x128xf32, #tpu.memory_space<vmem>>) target_semaphore(%run_scoped3A : memref<!tpu.dma_semaphore, #tpu.memory_space<semaphore_mem>>)
      %dma_wait3A = arith.constant 0 : i32
      %dma_wait3A_153 = tpu.memref_slice %arg11[%add3A_72, %dma_wait3A] : memref<10240x128xf32, #tpu.memory_space<vmem_shared>> -> memref<80x128xf32, #tpu.memory_space<vmem_shared>>
      %dma_wait3A_154 = arith.constant 0 : i32
      %dma_wait3A_155 = tpu.memref_slice %arg11[%add3A_72, %dma_wait3A_154] : memref<10240x128xf32, #tpu.memory_space<vmem_shared>> -> memref<80x128xf32, #tpu.memory_space<vmem_shared>>
      tpu.wait_dma2 semaphore(%run_scoped3A : memref<!tpu.dma_semaphore, #tpu.memory_space<semaphore_mem>>) src(%dma_wait3A_155 : memref<80x128xf32, #tpu.memory_space<vmem_shared>>) dst(%arg9 : memref<80x128xf32, #tpu.memory_space<vmem>>)
      tpu.yield
    }) : () -> ()
    %dma_start3A_73 = arith.constant 0 : i32
    %dma_start3A_74 = tpu.memref_slice %arg6[%arg0, %add3A_72, %dma_start3A_73] : memref<2x10240x128xf32, #tpu.memory_space<hbm>> -> memref<1x80x128xf32, #tpu.memory_space<hbm>>
    %dma_start3A_75 = tpu.memref_squeeze %dma_start3A_74 : memref<1x80x128xf32, #tpu.memory_space<hbm>> -> memref<80x128xf32, #tpu.memory_space<hbm>>
    %dma_start3A_76 = arith.constant 0 : i32
    %dma_start3A_77 = tpu.memref_slice %arg6[%arg0, %add3A_72, %dma_start3A_76] : memref<2x10240x128xf32, #tpu.memory_space<hbm>> -> memref<1x80x128xf32, #tpu.memory_space<hbm>>
    %dma_start3A_78 = tpu.memref_squeeze %dma_start3A_77 : memref<1x80x128xf32, #tpu.memory_space<hbm>> -> memref<80x128xf32, #tpu.memory_space<hbm>>
    tpu.enqueue_dma source(%arg9 : memref<80x128xf32, #tpu.memory_space<vmem>>) target(%dma_start3A_78 : memref<80x128xf32, #tpu.memory_space<hbm>>) target_semaphore(%arg12 : memref<!tpu.dma_semaphore, #tpu.memory_space<semaphore_mem>>)
    %mul3A_79 = arith.constant 640 : i32
    %mul3A_80 = arith.muli %arg1, %mul3A_79 : i32
    %add3A_81 = arith.constant 80 : i32
    %add3A_82 = arith.addi %mul3A_80, %add3A_81 : i32
    "tpu.region"() ({
      %run_scoped3A = tpu.sem_alloc : memref<!tpu.dma_semaphore, #tpu.memory_space<semaphore_mem>>
      %dma_start3A_149 = arith.constant 0 : i32
      %dma_start3A_150 = tpu.memref_slice %arg11[%add3A_82, %dma_start3A_149] : memref<10240x128xf32, #tpu.memory_space<vmem_shared>> -> memref<80x128xf32, #tpu.memory_space<vmem_shared>>
      %dma_start3A_151 = arith.constant 0 : i32
      %dma_start3A_152 = tpu.memref_slice %arg11[%add3A_82, %dma_start3A_151] : memref<10240x128xf32, #tpu.memory_space<vmem_shared>> -> memref<80x128xf32, #tpu.memory_space<vmem_shared>>
      tpu.enqueue_dma source(%dma_start3A_152 : memref<80x128xf32, #tpu.memory_space<vmem_shared>>) target(%arg10 : memref<80x128xf32, #tpu.memory_space<vmem>>) target_semaphore(%run_scoped3A : memref<!tpu.dma_semaphore, #tpu.memory_space<semaphore_mem>>)
      %dma_wait3A = arith.constant 0 : i32
      %dma_wait3A_153 = tpu.memref_slice %arg11[%add3A_82, %dma_wait3A] : memref<10240x128xf32, #tpu.memory_space<vmem_shared>> -> memref<80x128xf32, #tpu.memory_space<vmem_shared>>
      %dma_wait3A_154 = arith.constant 0 : i32
      %dma_wait3A_155 = tpu.memref_slice %arg11[%add3A_82, %dma_wait3A_154] : memref<10240x128xf32, #tpu.memory_space<vmem_shared>> -> memref<80x128xf32, #tpu.memory_space<vmem_shared>>
      tpu.wait_dma2 semaphore(%run_scoped3A : memref<!tpu.dma_semaphore, #tpu.memory_space<semaphore_mem>>) src(%dma_wait3A_155 : memref<80x128xf32, #tpu.memory_space<vmem_shared>>) dst(%arg10 : memref<80x128xf32, #tpu.memory_space<vmem>>)
      tpu.yield
    }) : () -> ()
    %dma_start3A_83 = arith.constant 0 : i32
    %dma_start3A_84 = tpu.memref_slice %arg6[%arg0, %add3A_82, %dma_start3A_83] : memref<2x10240x128xf32, #tpu.memory_space<hbm>> -> memref<1x80x128xf32, #tpu.memory_space<hbm>>
    %dma_start3A_85 = tpu.memref_squeeze %dma_start3A_84 : memref<1x80x128xf32, #tpu.memory_space<hbm>> -> memref<80x128xf32, #tpu.memory_space<hbm>>
    %dma_start3A_86 = arith.constant 0 : i32
    %dma_start3A_87 = tpu.memref_slice %arg6[%arg0, %add3A_82, %dma_start3A_86] : memref<2x10240x128xf32, #tpu.memory_space<hbm>> -> memref<1x80x128xf32, #tpu.memory_space<hbm>>
    %dma_start3A_88 = tpu.memref_squeeze %dma_start3A_87 : memref<1x80x128xf32, #tpu.memory_space<hbm>> -> memref<80x128xf32, #tpu.memory_space<hbm>>
    tpu.enqueue_dma source(%arg10 : memref<80x128xf32, #tpu.memory_space<vmem>>) target(%dma_start3A_88 : memref<80x128xf32, #tpu.memory_space<hbm>>) target_semaphore(%arg13 : memref<!tpu.dma_semaphore, #tpu.memory_space<semaphore_mem>>)
    %mul3A_89 = arith.constant 640 : i32
    %mul3A_90 = arith.muli %arg1, %mul3A_89 : i32
    %add3A_91 = arith.constant 160 : i32
    %add3A_92 = arith.addi %mul3A_90, %add3A_91 : i32
    tpu.wait_dma2 semaphore(%arg12 : memref<!tpu.dma_semaphore, #tpu.memory_space<semaphore_mem>>) src(%arg5 : memref<80x128xf32, #tpu.memory_space<hbm>>) dst(%arg9 : memref<80x128xf32, #tpu.memory_space<vmem>>)
    "tpu.region"() ({
      %run_scoped3A = tpu.sem_alloc : memref<!tpu.dma_semaphore, #tpu.memory_space<semaphore_mem>>
      %dma_start3A_149 = arith.constant 0 : i32
      %dma_start3A_150 = tpu.memref_slice %arg11[%add3A_92, %dma_start3A_149] : memref<10240x128xf32, #tpu.memory_space<vmem_shared>> -> memref<80x128xf32, #tpu.memory_space<vmem_shared>>
      %dma_start3A_151 = arith.constant 0 : i32
      %dma_start3A_152 = tpu.memref_slice %arg11[%add3A_92, %dma_start3A_151] : memref<10240x128xf32, #tpu.memory_space<vmem_shared>> -> memref<80x128xf32, #tpu.memory_space<vmem_shared>>
      tpu.enqueue_dma source(%dma_start3A_152 : memref<80x128xf32, #tpu.memory_space<vmem_shared>>) target(%arg9 : memref<80x128xf32, #tpu.memory_space<vmem>>) target_semaphore(%run_scoped3A : memref<!tpu.dma_semaphore, #tpu.memory_space<semaphore_mem>>)
      %dma_wait3A = arith.constant 0 : i32
      %dma_wait3A_153 = tpu.memref_slice %arg11[%add3A_92, %dma_wait3A] : memref<10240x128xf32, #tpu.memory_space<vmem_shared>> -> memref<80x128xf32, #tpu.memory_space<vmem_shared>>
      %dma_wait3A_154 = arith.constant 0 : i32
      %dma_wait3A_155 = tpu.memref_slice %arg11[%add3A_92, %dma_wait3A_154] : memref<10240x128xf32, #tpu.memory_space<vmem_shared>> -> memref<80x128xf32, #tpu.memory_space<vmem_shared>>
      tpu.wait_dma2 semaphore(%run_scoped3A : memref<!tpu.dma_semaphore, #tpu.memory_space<semaphore_mem>>) src(%dma_wait3A_155 : memref<80x128xf32, #tpu.memory_space<vmem_shared>>) dst(%arg9 : memref<80x128xf32, #tpu.memory_space<vmem>>)
      tpu.yield
    }) : () -> ()
    %dma_start3A_93 = arith.constant 0 : i32
    %dma_start3A_94 = tpu.memref_slice %arg6[%arg0, %add3A_92, %dma_start3A_93] : memref<2x10240x128xf32, #tpu.memory_space<hbm>> -> memref<1x80x128xf32, #tpu.memory_space<hbm>>
    %dma_start3A_95 = tpu.memref_squeeze %dma_start3A_94 : memref<1x80x128xf32, #tpu.memory_space<hbm>> -> memref<80x128xf32, #tpu.memory_space<hbm>>
    %dma_start3A_96 = arith.constant 0 : i32
    %dma_start3A_97 = tpu.memref_slice %arg6[%arg0, %add3A_92, %dma_start3A_96] : memref<2x10240x128xf32, #tpu.memory_space<hbm>> -> memref<1x80x128xf32, #tpu.memory_space<hbm>>
    %dma_start3A_98 = tpu.memref_squeeze %dma_start3A_97 : memref<1x80x128xf32, #tpu.memory_space<hbm>> -> memref<80x128xf32, #tpu.memory_space<hbm>>
    tpu.enqueue_dma source(%arg9 : memref<80x128xf32, #tpu.memory_space<vmem>>) target(%dma_start3A_98 : memref<80x128xf32, #tpu.memory_space<hbm>>) target_semaphore(%arg12 : memref<!tpu.dma_semaphore, #tpu.memory_space<semaphore_mem>>)
    %mul3A_99 = arith.constant 640 : i32
    %mul3A_100 = arith.muli %arg1, %mul3A_99 : i32
    %add3A_101 = arith.constant 240 : i32
    %add3A_102 = arith.addi %mul3A_100, %add3A_101 : i32
    tpu.wait_dma2 semaphore(%arg13 : memref<!tpu.dma_semaphore, #tpu.memory_space<semaphore_mem>>) src(%arg5 : memref<80x128xf32, #tpu.memory_space<hbm>>) dst(%arg10 : memref<80x128xf32, #tpu.memory_space<vmem>>)
    "tpu.region"() ({
      %run_scoped3A = tpu.sem_alloc : memref<!tpu.dma_semaphore, #tpu.memory_space<semaphore_mem>>
      %dma_start3A_149 = arith.constant 0 : i32
      %dma_start3A_150 = tpu.memref_slice %arg11[%add3A_102, %dma_start3A_149] : memref<10240x128xf32, #tpu.memory_space<vmem_shared>> -> memref<80x128xf32, #tpu.memory_space<vmem_shared>>
      %dma_start3A_151 = arith.constant 0 : i32
      %dma_start3A_152 = tpu.memref_slice %arg11[%add3A_102, %dma_start3A_151] : memref<10240x128xf32, #tpu.memory_space<vmem_shared>> -> memref<80x128xf32, #tpu.memory_space<vmem_shared>>
      tpu.enqueue_dma source(%dma_start3A_152 : memref<80x128xf32, #tpu.memory_space<vmem_shared>>) target(%arg10 : memref<80x128xf32, #tpu.memory_space<vmem>>) target_semaphore(%run_scoped3A : memref<!tpu.dma_semaphore, #tpu.memory_space<semaphore_mem>>)
      %dma_wait3A = arith.constant 0 : i32
      %dma_wait3A_153 = tpu.memref_slice %arg11[%add3A_102, %dma_wait3A] : memref<10240x128xf32, #tpu.memory_space<vmem_shared>> -> memref<80x128xf32, #tpu.memory_space<vmem_shared>>
      %dma_wait3A_154 = arith.constant 0 : i32
      %dma_wait3A_155 = tpu.memref_slice %arg11[%add3A_102, %dma_wait3A_154] : memref<10240x128xf32, #tpu.memory_space<vmem_shared>> -> memref<80x128xf32, #tpu.memory_space<vmem_shared>>
      tpu.wait_dma2 semaphore(%run_scoped3A : memref<!tpu.dma_semaphore, #tpu.memory_space<semaphore_mem>>) src(%dma_wait3A_155 : memref<80x128xf32, #tpu.memory_space<vmem_shared>>) dst(%arg10 : memref<80x128xf32, #tpu.memory_space<vmem>>)
      tpu.yield
    }) : () -> ()
    %dma_start3A_103 = arith.constant 0 : i32
    %dma_start3A_104 = tpu.memref_slice %arg6[%arg0, %add3A_102, %dma_start3A_103] : memref<2x10240x128xf32, #tpu.memory_space<hbm>> -> memref<1x80x128xf32, #tpu.memory_space<hbm>>
    %dma_start3A_105 = tpu.memref_squeeze %dma_start3A_104 : memref<1x80x128xf32, #tpu.memory_space<hbm>> -> memref<80x128xf32, #tpu.memory_space<hbm>>
    %dma_start3A_106 = arith.constant 0 : i32
    %dma_start3A_107 = tpu.memref_slice %arg6[%arg0, %add3A_102, %dma_start3A_106] : memref<2x10240x128xf32, #tpu.memory_space<hbm>> -> memref<1x80x128xf32, #tpu.memory_space<hbm>>
    %dma_start3A_108 = tpu.memref_squeeze %dma_start3A_107 : memref<1x80x128xf32, #tpu.memory_space<hbm>> -> memref<80x128xf32, #tpu.memory_space<hbm>>
    tpu.enqueue_dma source(%arg10 : memref<80x128xf32, #tpu.memory_space<vmem>>) target(%dma_start3A_108 : memref<80x128xf32, #tpu.memory_space<hbm>>) target_semaphore(%arg13 : memref<!tpu.dma_semaphore, #tpu.memory_space<semaphore_mem>>)
    %mul3A_109 = arith.constant 640 : i32
    %mul3A_110 = arith.muli %arg1, %mul3A_109 : i32
    %add3A_111 = arith.constant 320 : i32
    %add3A_112 = arith.addi %mul3A_110, %add3A_111 : i32
    tpu.wait_dma2 semaphore(%arg12 : memref<!tpu.dma_semaphore, #tpu.memory_space<semaphore_mem>>) src(%arg5 : memref<80x128xf32, #tpu.memory_space<hbm>>) dst(%arg9 : memref<80x128xf32, #tpu.memory_space<vmem>>)
    "tpu.region"() ({
      %run_scoped3A = tpu.sem_alloc : memref<!tpu.dma_semaphore, #tpu.memory_space<semaphore_mem>>
      %dma_start3A_149 = arith.constant 0 : i32
      %dma_start3A_150 = tpu.memref_slice %arg11[%add3A_112, %dma_start3A_149] : memref<10240x128xf32, #tpu.memory_space<vmem_shared>> -> memref<80x128xf32, #tpu.memory_space<vmem_shared>>
      %dma_start3A_151 = arith.constant 0 : i32
      %dma_start3A_152 = tpu.memref_slice %arg11[%add3A_112, %dma_start3A_151] : memref<10240x128xf32, #tpu.memory_space<vmem_shared>> -> memref<80x128xf32, #tpu.memory_space<vmem_shared>>
      tpu.enqueue_dma source(%dma_start3A_152 : memref<80x128xf32, #tpu.memory_space<vmem_shared>>) target(%arg9 : memref<80x128xf32, #tpu.memory_space<vmem>>) target_semaphore(%run_scoped3A : memref<!tpu.dma_semaphore, #tpu.memory_space<semaphore_mem>>)
      %dma_wait3A = arith.constant 0 : i32
      %dma_wait3A_153 = tpu.memref_slice %arg11[%add3A_112, %dma_wait3A] : memref<10240x128xf32, #tpu.memory_space<vmem_shared>> -> memref<80x128xf32, #tpu.memory_space<vmem_shared>>
      %dma_wait3A_154 = arith.constant 0 : i32
      %dma_wait3A_155 = tpu.memref_slice %arg11[%add3A_112, %dma_wait3A_154] : memref<10240x128xf32, #tpu.memory_space<vmem_shared>> -> memref<80x128xf32, #tpu.memory_space<vmem_shared>>
      tpu.wait_dma2 semaphore(%run_scoped3A : memref<!tpu.dma_semaphore, #tpu.memory_space<semaphore_mem>>) src(%dma_wait3A_155 : memref<80x128xf32, #tpu.memory_space<vmem_shared>>) dst(%arg9 : memref<80x128xf32, #tpu.memory_space<vmem>>)
      tpu.yield
    }) : () -> ()
    %dma_start3A_113 = arith.constant 0 : i32
    %dma_start3A_114 = tpu.memref_slice %arg6[%arg0, %add3A_112, %dma_start3A_113] : memref<2x10240x128xf32, #tpu.memory_space<hbm>> -> memref<1x80x128xf32, #tpu.memory_space<hbm>>
    %dma_start3A_115 = tpu.memref_squeeze %dma_start3A_114 : memref<1x80x128xf32, #tpu.memory_space<hbm>> -> memref<80x128xf32, #tpu.memory_space<hbm>>
    %dma_start3A_116 = arith.constant 0 : i32
    %dma_start3A_117 = tpu.memref_slice %arg6[%arg0, %add3A_112, %dma_start3A_116] : memref<2x10240x128xf32, #tpu.memory_space<hbm>> -> memref<1x80x128xf32, #tpu.memory_space<hbm>>
    %dma_start3A_118 = tpu.memref_squeeze %dma_start3A_117 : memref<1x80x128xf32, #tpu.memory_space<hbm>> -> memref<80x128xf32, #tpu.memory_space<hbm>>
    tpu.enqueue_dma source(%arg9 : memref<80x128xf32, #tpu.memory_space<vmem>>) target(%dma_start3A_118 : memref<80x128xf32, #tpu.memory_space<hbm>>) target_semaphore(%arg12 : memref<!tpu.dma_semaphore, #tpu.memory_space<semaphore_mem>>)
    %mul3A_119 = arith.constant 640 : i32
    %mul3A_120 = arith.muli %arg1, %mul3A_119 : i32
    %add3A_121 = arith.constant 400 : i32
    %add3A_122 = arith.addi %mul3A_120, %add3A_121 : i32
    tpu.wait_dma2 semaphore(%arg13 : memref<!tpu.dma_semaphore, #tpu.memory_space<semaphore_mem>>) src(%arg5 : memref<80x128xf32, #tpu.memory_space<hbm>>) dst(%arg10 : memref<80x128xf32, #tpu.memory_space<vmem>>)
    "tpu.region"() ({
      %run_scoped3A = tpu.sem_alloc : memref<!tpu.dma_semaphore, #tpu.memory_space<semaphore_mem>>
      %dma_start3A_149 = arith.constant 0 : i32
      %dma_start3A_150 = tpu.memref_slice %arg11[%add3A_122, %dma_start3A_149] : memref<10240x128xf32, #tpu.memory_space<vmem_shared>> -> memref<80x128xf32, #tpu.memory_space<vmem_shared>>
      %dma_start3A_151 = arith.constant 0 : i32
      %dma_start3A_152 = tpu.memref_slice %arg11[%add3A_122, %dma_start3A_151] : memref<10240x128xf32, #tpu.memory_space<vmem_shared>> -> memref<80x128xf32, #tpu.memory_space<vmem_shared>>
      tpu.enqueue_dma source(%dma_start3A_152 : memref<80x128xf32, #tpu.memory_space<vmem_shared>>) target(%arg10 : memref<80x128xf32, #tpu.memory_space<vmem>>) target_semaphore(%run_scoped3A : memref<!tpu.dma_semaphore, #tpu.memory_space<semaphore_mem>>)
      %dma_wait3A = arith.constant 0 : i32
      %dma_wait3A_153 = tpu.memref_slice %arg11[%add3A_122, %dma_wait3A] : memref<10240x128xf32, #tpu.memory_space<vmem_shared>> -> memref<80x128xf32, #tpu.memory_space<vmem_shared>>
      %dma_wait3A_154 = arith.constant 0 : i32
      %dma_wait3A_155 = tpu.memref_slice %arg11[%add3A_122, %dma_wait3A_154] : memref<10240x128xf32, #tpu.memory_space<vmem_shared>> -> memref<80x128xf32, #tpu.memory_space<vmem_shared>>
      tpu.wait_dma2 semaphore(%run_scoped3A : memref<!tpu.dma_semaphore, #tpu.memory_space<semaphore_mem>>) src(%dma_wait3A_155 : memref<80x128xf32, #tpu.memory_space<vmem_shared>>) dst(%arg10 : memref<80x128xf32, #tpu.memory_space<vmem>>)
      tpu.yield
    }) : () -> ()
    %dma_start3A_123 = arith.constant 0 : i32
    %dma_start3A_124 = tpu.memref_slice %arg6[%arg0, %add3A_122, %dma_start3A_123] : memref<2x10240x128xf32, #tpu.memory_space<hbm>> -> memref<1x80x128xf32, #tpu.memory_space<hbm>>
    %dma_start3A_125 = tpu.memref_squeeze %dma_start3A_124 : memref<1x80x128xf32, #tpu.memory_space<hbm>> -> memref<80x128xf32, #tpu.memory_space<hbm>>
    %dma_start3A_126 = arith.constant 0 : i32
    %dma_start3A_127 = tpu.memref_slice %arg6[%arg0, %add3A_122, %dma_start3A_126] : memref<2x10240x128xf32, #tpu.memory_space<hbm>> -> memref<1x80x128xf32, #tpu.memory_space<hbm>>
    %dma_start3A_128 = tpu.memref_squeeze %dma_start3A_127 : memref<1x80x128xf32, #tpu.memory_space<hbm>> -> memref<80x128xf32, #tpu.memory_space<hbm>>
    tpu.enqueue_dma source(%arg10 : memref<80x128xf32, #tpu.memory_space<vmem>>) target(%dma_start3A_128 : memref<80x128xf32, #tpu.memory_space<hbm>>) target_semaphore(%arg13 : memref<!tpu.dma_semaphore, #tpu.memory_space<semaphore_mem>>)
    %mul3A_129 = arith.constant 640 : i32
    %mul3A_130 = arith.muli %arg1, %mul3A_129 : i32
    %add3A_131 = arith.constant 480 : i32
    %add3A_132 = arith.addi %mul3A_130, %add3A_131 : i32
    tpu.wait_dma2 semaphore(%arg12 : memref<!tpu.dma_semaphore, #tpu.memory_space<semaphore_mem>>) src(%arg5 : memref<80x128xf32, #tpu.memory_space<hbm>>) dst(%arg9 : memref<80x128xf32, #tpu.memory_space<vmem>>)
    "tpu.region"() ({
      %run_scoped3A = tpu.sem_alloc : memref<!tpu.dma_semaphore, #tpu.memory_space<semaphore_mem>>
      %dma_start3A_149 = arith.constant 0 : i32
      %dma_start3A_150 = tpu.memref_slice %arg11[%add3A_132, %dma_start3A_149] : memref<10240x128xf32, #tpu.memory_space<vmem_shared>> -> memref<80x128xf32, #tpu.memory_space<vmem_shared>>
      %dma_start3A_151 = arith.constant 0 : i32
      %dma_start3A_152 = tpu.memref_slice %arg11[%add3A_132, %dma_start3A_151] : memref<10240x128xf32, #tpu.memory_space<vmem_shared>> -> memref<80x128xf32, #tpu.memory_space<vmem_shared>>
      tpu.enqueue_dma source(%dma_start3A_152 : memref<80x128xf32, #tpu.memory_space<vmem_shared>>) target(%arg9 : memref<80x128xf32, #tpu.memory_space<vmem>>) target_semaphore(%run_scoped3A : memref<!tpu.dma_semaphore, #tpu.memory_space<semaphore_mem>>)
      %dma_wait3A = arith.constant 0 : i32
      %dma_wait3A_153 = tpu.memref_slice %arg11[%add3A_132, %dma_wait3A] : memref<10240x128xf32, #tpu.memory_space<vmem_shared>> -> memref<80x128xf32, #tpu.memory_space<vmem_shared>>
      %dma_wait3A_154 = arith.constant 0 : i32
      %dma_wait3A_155 = tpu.memref_slice %arg11[%add3A_132, %dma_wait3A_154] : memref<10240x128xf32, #tpu.memory_space<vmem_shared>> -> memref<80x128xf32, #tpu.memory_space<vmem_shared>>
      tpu.wait_dma2 semaphore(%run_scoped3A : memref<!tpu.dma_semaphore, #tpu.memory_space<semaphore_mem>>) src(%dma_wait3A_155 : memref<80x128xf32, #tpu.memory_space<vmem_shared>>) dst(%arg9 : memref<80x128xf32, #tpu.memory_space<vmem>>)
      tpu.yield
    }) : () -> ()
    %dma_start3A_133 = arith.constant 0 : i32
    %dma_start3A_134 = tpu.memref_slice %arg6[%arg0, %add3A_132, %dma_start3A_133] : memref<2x10240x128xf32, #tpu.memory_space<hbm>> -> memref<1x80x128xf32, #tpu.memory_space<hbm>>
    %dma_start3A_135 = tpu.memref_squeeze %dma_start3A_134 : memref<1x80x128xf32, #tpu.memory_space<hbm>> -> memref<80x128xf32, #tpu.memory_space<hbm>>
    %dma_start3A_136 = arith.constant 0 : i32
    %dma_start3A_137 = tpu.memref_slice %arg6[%arg0, %add3A_132, %dma_start3A_136] : memref<2x10240x128xf32, #tpu.memory_space<hbm>> -> memref<1x80x128xf32, #tpu.memory_space<hbm>>
    %dma_start3A_138 = tpu.memref_squeeze %dma_start3A_137 : memref<1x80x128xf32, #tpu.memory_space<hbm>> -> memref<80x128xf32, #tpu.memory_space<hbm>>
    tpu.enqueue_dma source(%arg9 : memref<80x128xf32, #tpu.memory_space<vmem>>) target(%dma_start3A_138 : memref<80x128xf32, #tpu.memory_space<hbm>>) target_semaphore(%arg12 : memref<!tpu.dma_semaphore, #tpu.memory_space<semaphore_mem>>)
    %mul3A_139 = arith.constant 640 : i32
    %mul3A_140 = arith.muli %arg1, %mul3A_139 : i32
    %add3A_141 = arith.constant 560 : i32
    %add3A_142 = arith.addi %mul3A_140, %add3A_141 : i32
    tpu.wait_dma2 semaphore(%arg13 : memref<!tpu.dma_semaphore, #tpu.memory_space<semaphore_mem>>) src(%arg5 : memref<80x128xf32, #tpu.memory_space<hbm>>) dst(%arg10 : memref<80x128xf32, #tpu.memory_space<vmem>>)
    "tpu.region"() ({
      %run_scoped3A = tpu.sem_alloc : memref<!tpu.dma_semaphore, #tpu.memory_space<semaphore_mem>>
      %dma_start3A_149 = arith.constant 0 : i32
      %dma_start3A_150 = tpu.memref_slice %arg11[%add3A_142, %dma_start3A_149] : memref<10240x128xf32, #tpu.memory_space<vmem_shared>> -> memref<80x128xf32, #tpu.memory_space<vmem_shared>>
      %dma_start3A_151 = arith.constant 0 : i32
      %dma_start3A_152 = tpu.memref_slice %arg11[%add3A_142, %dma_start3A_151] : memref<10240x128xf32, #tpu.memory_space<vmem_shared>> -> memref<80x128xf32, #tpu.memory_space<vmem_shared>>
      tpu.enqueue_dma source(%dma_start3A_152 : memref<80x128xf32, #tpu.memory_space<vmem_shared>>) target(%arg10 : memref<80x128xf32, #tpu.memory_space<vmem>>) target_semaphore(%run_scoped3A : memref<!tpu.dma_semaphore, #tpu.memory_space<semaphore_mem>>)
      %dma_wait3A = arith.constant 0 : i32
      %dma_wait3A_153 = tpu.memref_slice %arg11[%add3A_142, %dma_wait3A] : memref<10240x128xf32, #tpu.memory_space<vmem_shared>> -> memref<80x128xf32, #tpu.memory_space<vmem_shared>>
      %dma_wait3A_154 = arith.constant 0 : i32
      %dma_wait3A_155 = tpu.memref_slice %arg11[%add3A_142, %dma_wait3A_154] : memref<10240x128xf32, #tpu.memory_space<vmem_shared>> -> memref<80x128xf32, #tpu.memory_space<vmem_shared>>
      tpu.wait_dma2 semaphore(%run_scoped3A : memref<!tpu.dma_semaphore, #tpu.memory_space<semaphore_mem>>) src(%dma_wait3A_155 : memref<80x128xf32, #tpu.memory_space<vmem_shared>>) dst(%arg10 : memref<80x128xf32, #tpu.memory_space<vmem>>)
      tpu.yield
    }) : () -> ()
    %dma_start3A_143 = arith.constant 0 : i32
    %dma_start3A_144 = tpu.memref_slice %arg6[%arg0, %add3A_142, %dma_start3A_143] : memref<2x10240x128xf32, #tpu.memory_space<hbm>> -> memref<1x80x128xf32, #tpu.memory_space<hbm>>
    %dma_start3A_145 = tpu.memref_squeeze %dma_start3A_144 : memref<1x80x128xf32, #tpu.memory_space<hbm>> -> memref<80x128xf32, #tpu.memory_space<hbm>>
    %dma_start3A_146 = arith.constant 0 : i32
    %dma_start3A_147 = tpu.memref_slice %arg6[%arg0, %add3A_142, %dma_start3A_146] : memref<2x10240x128xf32, #tpu.memory_space<hbm>> -> memref<1x80x128xf32, #tpu.memory_space<hbm>>
    %dma_start3A_148 = tpu.memref_squeeze %dma_start3A_147 : memref<1x80x128xf32, #tpu.memory_space<hbm>> -> memref<80x128xf32, #tpu.memory_space<hbm>>
    tpu.enqueue_dma source(%arg10 : memref<80x128xf32, #tpu.memory_space<vmem>>) target(%dma_start3A_148 : memref<80x128xf32, #tpu.memory_space<hbm>>) target_semaphore(%arg13 : memref<!tpu.dma_semaphore, #tpu.memory_space<semaphore_mem>>)
    tpu.wait_dma2 semaphore(%arg12 : memref<!tpu.dma_semaphore, #tpu.memory_space<semaphore_mem>>) src(%arg5 : memref<80x128xf32, #tpu.memory_space<hbm>>) dst(%arg9 : memref<80x128xf32, #tpu.memory_space<vmem>>)
    tpu.wait_dma2 semaphore(%arg13 : memref<!tpu.dma_semaphore, #tpu.memory_space<semaphore_mem>>) src(%arg5 : memref<80x128xf32, #tpu.memory_space<hbm>>) dst(%arg10 : memref<80x128xf32, #tpu.memory_space<vmem>>)
    return
  }
}

#map = affine_map<(d0, d1) -> (0, 0)>
#map1 = affine_map<(d0, d1) -> (0, 0, 0, 0)>
#map2 = affine_map<(d0, d1) -> (0, 0, 0)>
module attributes {stable_mosaic.version = 14 : i64} {
  func.func @body(%arg0: i32, %arg1: i32, %arg2: memref<10000x128xf32, #tpu.memory_space<hbm>>, %arg3: memref<32x5x25x80xi32, #tpu.memory_space<hbm>>, %arg4: memref<32x5x25x80xi32, #tpu.memory_space<hbm>>, %arg5: memref<80x128xf32, #tpu.memory_space<hbm>>, %arg6: memref<2x10240x128xf32, #tpu.memory_space<hbm>>, %arg7: memref<32x1x10000xf32, #tpu.memory_space<hbm>>, %arg8: memref<25x80xi32, #tpu.memory_space<vmem>>, %arg9: memref<25x80xi32, #tpu.memory_space<vmem>>, %arg10: memref<80x128xf32, #tpu.memory_space<vmem>>, %arg11: memref<80x128xf32, #tpu.memory_space<vmem>>, %arg12: memref<10240x128xf32, #tpu.memory_space<vmem_shared>>, %arg13: memref<!tpu.dma_semaphore, #tpu.memory_space<semaphore_mem>>, %arg14: memref<!tpu.dma_semaphore, #tpu.memory_space<semaphore_mem>>, %arg15: memref<1x10000xf32, #tpu.memory_space<vmem>>) attributes {dimension_semantics = [#tpu.dimension_semantics<core_parallel>, #tpu.dimension_semantics<subcore_parallel>], iteration_bounds = array<i64: 2, 16>, scalar_prefetch = 0 : i64, scratch_operands = 8 : i64, tpu.core_type = #tpu.core_type<sc_vector_subcore>, window_params = [{transform_indices = #map}, {transform_indices = #map1}, {transform_indices = #map1}, {transform_indices = #map}, {transform_indices = #map2}, {transform_indices = #map2}]} {
    %mul3A = arith.constant 16 : i32
    %mul3A_0 = arith.muli %arg0, %mul3A : i32
    %add3A = arith.addi %mul3A_0, %arg1 : i32
    "tpu.region"() ({
      %run_scoped3A = tpu.sem_alloc : memref<!tpu.dma_semaphore, #tpu.memory_space<semaphore_mem>>
      tpu.enqueue_dma source(%arg5 : memref<80x128xf32, #tpu.memory_space<hbm>>) target(%arg10 : memref<80x128xf32, #tpu.memory_space<vmem>>) target_semaphore(%run_scoped3A : memref<!tpu.dma_semaphore, #tpu.memory_space<semaphore_mem>>)
      tpu.wait_dma2 semaphore(%run_scoped3A : memref<!tpu.dma_semaphore, #tpu.memory_space<semaphore_mem>>) src(%arg5 : memref<80x128xf32, #tpu.memory_space<hbm>>) dst(%arg10 : memref<80x128xf32, #tpu.memory_space<vmem>>)
      tpu.yield
    }) : () -> ()
    %mul3A_1 = arith.constant 640 : i32
    %mul3A_2 = arith.muli %arg1, %mul3A_1 : i32
    %add3A_3 = arith.constant 0 : i32
    %add3A_4 = arith.addi %mul3A_2, %add3A_3 : i32
    %dma_start3A = arith.constant 0 : i32
    %dma_start3A_5 = tpu.memref_slice %arg12[%add3A_4, %dma_start3A] : memref<10240x128xf32, #tpu.memory_space<vmem_shared>> -> memref<80x128xf32, #tpu.memory_space<vmem_shared>>
    %dma_start3A_6 = arith.constant 0 : i32
    %dma_start3A_7 = tpu.memref_slice %arg12[%add3A_4, %dma_start3A_6] : memref<10240x128xf32, #tpu.memory_space<vmem_shared>> -> memref<80x128xf32, #tpu.memory_space<vmem_shared>>
    tpu.enqueue_dma source(%arg10 : memref<80x128xf32, #tpu.memory_space<vmem>>) target(%dma_start3A_7 : memref<80x128xf32, #tpu.memory_space<vmem_shared>>) target_semaphore(%arg13 : memref<!tpu.dma_semaphore, #tpu.memory_space<semaphore_mem>>)
    %mul3A_8 = arith.constant 640 : i32
    %mul3A_9 = arith.muli %arg1, %mul3A_8 : i32
    %add3A_10 = arith.constant 80 : i32
    %add3A_11 = arith.addi %mul3A_9, %add3A_10 : i32
    %dma_start3A_12 = arith.constant 0 : i32
    %dma_start3A_13 = tpu.memref_slice %arg12[%add3A_11, %dma_start3A_12] : memref<10240x128xf32, #tpu.memory_space<vmem_shared>> -> memref<80x128xf32, #tpu.memory_space<vmem_shared>>
    %dma_start3A_14 = arith.constant 0 : i32
    %dma_start3A_15 = tpu.memref_slice %arg12[%add3A_11, %dma_start3A_14] : memref<10240x128xf32, #tpu.memory_space<vmem_shared>> -> memref<80x128xf32, #tpu.memory_space<vmem_shared>>
    tpu.enqueue_dma source(%arg10 : memref<80x128xf32, #tpu.memory_space<vmem>>) target(%dma_start3A_15 : memref<80x128xf32, #tpu.memory_space<vmem_shared>>) target_semaphore(%arg13 : memref<!tpu.dma_semaphore, #tpu.memory_space<semaphore_mem>>)
    %mul3A_16 = arith.constant 640 : i32
    %mul3A_17 = arith.muli %arg1, %mul3A_16 : i32
    %add3A_18 = arith.constant 160 : i32
    %add3A_19 = arith.addi %mul3A_17, %add3A_18 : i32
    %dma_start3A_20 = arith.constant 0 : i32
    %dma_start3A_21 = tpu.memref_slice %arg12[%add3A_19, %dma_start3A_20] : memref<10240x128xf32, #tpu.memory_space<vmem_shared>> -> memref<80x128xf32, #tpu.memory_space<vmem_shared>>
    %dma_start3A_22 = arith.constant 0 : i32
    %dma_start3A_23 = tpu.memref_slice %arg12[%add3A_19, %dma_start3A_22] : memref<10240x128xf32, #tpu.memory_space<vmem_shared>> -> memref<80x128xf32, #tpu.memory_space<vmem_shared>>
    tpu.enqueue_dma source(%arg10 : memref<80x128xf32, #tpu.memory_space<vmem>>) target(%dma_start3A_23 : memref<80x128xf32, #tpu.memory_space<vmem_shared>>) target_semaphore(%arg13 : memref<!tpu.dma_semaphore, #tpu.memory_space<semaphore_mem>>)
    %mul3A_24 = arith.constant 640 : i32
    %mul3A_25 = arith.muli %arg1, %mul3A_24 : i32
    %add3A_26 = arith.constant 240 : i32
    %add3A_27 = arith.addi %mul3A_25, %add3A_26 : i32
    %dma_start3A_28 = arith.constant 0 : i32
    %dma_start3A_29 = tpu.memref_slice %arg12[%add3A_27, %dma_start3A_28] : memref<10240x128xf32, #tpu.memory_space<vmem_shared>> -> memref<80x128xf32, #tpu.memory_space<vmem_shared>>
    %dma_start3A_30 = arith.constant 0 : i32
    %dma_start3A_31 = tpu.memref_slice %arg12[%add3A_27, %dma_start3A_30] : memref<10240x128xf32, #tpu.memory_space<vmem_shared>> -> memref<80x128xf32, #tpu.memory_space<vmem_shared>>
    tpu.enqueue_dma source(%arg10 : memref<80x128xf32, #tpu.memory_space<vmem>>) target(%dma_start3A_31 : memref<80x128xf32, #tpu.memory_space<vmem_shared>>) target_semaphore(%arg13 : memref<!tpu.dma_semaphore, #tpu.memory_space<semaphore_mem>>)
    %mul3A_32 = arith.constant 640 : i32
    %mul3A_33 = arith.muli %arg1, %mul3A_32 : i32
    %add3A_34 = arith.constant 320 : i32
    %add3A_35 = arith.addi %mul3A_33, %add3A_34 : i32
    %dma_start3A_36 = arith.constant 0 : i32
    %dma_start3A_37 = tpu.memref_slice %arg12[%add3A_35, %dma_start3A_36] : memref<10240x128xf32, #tpu.memory_space<vmem_shared>> -> memref<80x128xf32, #tpu.memory_space<vmem_shared>>
    %dma_start3A_38 = arith.constant 0 : i32
    %dma_start3A_39 = tpu.memref_slice %arg12[%add3A_35, %dma_start3A_38] : memref<10240x128xf32, #tpu.memory_space<vmem_shared>> -> memref<80x128xf32, #tpu.memory_space<vmem_shared>>
    tpu.enqueue_dma source(%arg10 : memref<80x128xf32, #tpu.memory_space<vmem>>) target(%dma_start3A_39 : memref<80x128xf32, #tpu.memory_space<vmem_shared>>) target_semaphore(%arg13 : memref<!tpu.dma_semaphore, #tpu.memory_space<semaphore_mem>>)
    %mul3A_40 = arith.constant 640 : i32
    %mul3A_41 = arith.muli %arg1, %mul3A_40 : i32
    %add3A_42 = arith.constant 400 : i32
    %add3A_43 = arith.addi %mul3A_41, %add3A_42 : i32
    %dma_start3A_44 = arith.constant 0 : i32
    %dma_start3A_45 = tpu.memref_slice %arg12[%add3A_43, %dma_start3A_44] : memref<10240x128xf32, #tpu.memory_space<vmem_shared>> -> memref<80x128xf32, #tpu.memory_space<vmem_shared>>
    %dma_start3A_46 = arith.constant 0 : i32
    %dma_start3A_47 = tpu.memref_slice %arg12[%add3A_43, %dma_start3A_46] : memref<10240x128xf32, #tpu.memory_space<vmem_shared>> -> memref<80x128xf32, #tpu.memory_space<vmem_shared>>
    tpu.enqueue_dma source(%arg10 : memref<80x128xf32, #tpu.memory_space<vmem>>) target(%dma_start3A_47 : memref<80x128xf32, #tpu.memory_space<vmem_shared>>) target_semaphore(%arg13 : memref<!tpu.dma_semaphore, #tpu.memory_space<semaphore_mem>>)
    %mul3A_48 = arith.constant 640 : i32
    %mul3A_49 = arith.muli %arg1, %mul3A_48 : i32
    %add3A_50 = arith.constant 480 : i32
    %add3A_51 = arith.addi %mul3A_49, %add3A_50 : i32
    %dma_start3A_52 = arith.constant 0 : i32
    %dma_start3A_53 = tpu.memref_slice %arg12[%add3A_51, %dma_start3A_52] : memref<10240x128xf32, #tpu.memory_space<vmem_shared>> -> memref<80x128xf32, #tpu.memory_space<vmem_shared>>
    %dma_start3A_54 = arith.constant 0 : i32
    %dma_start3A_55 = tpu.memref_slice %arg12[%add3A_51, %dma_start3A_54] : memref<10240x128xf32, #tpu.memory_space<vmem_shared>> -> memref<80x128xf32, #tpu.memory_space<vmem_shared>>
    tpu.enqueue_dma source(%arg10 : memref<80x128xf32, #tpu.memory_space<vmem>>) target(%dma_start3A_55 : memref<80x128xf32, #tpu.memory_space<vmem_shared>>) target_semaphore(%arg13 : memref<!tpu.dma_semaphore, #tpu.memory_space<semaphore_mem>>)
    %mul3A_56 = arith.constant 640 : i32
    %mul3A_57 = arith.muli %arg1, %mul3A_56 : i32
    %add3A_58 = arith.constant 560 : i32
    %add3A_59 = arith.addi %mul3A_57, %add3A_58 : i32
    %dma_start3A_60 = arith.constant 0 : i32
    %dma_start3A_61 = tpu.memref_slice %arg12[%add3A_59, %dma_start3A_60] : memref<10240x128xf32, #tpu.memory_space<vmem_shared>> -> memref<80x128xf32, #tpu.memory_space<vmem_shared>>
    %dma_start3A_62 = arith.constant 0 : i32
    %dma_start3A_63 = tpu.memref_slice %arg12[%add3A_59, %dma_start3A_62] : memref<10240x128xf32, #tpu.memory_space<vmem_shared>> -> memref<80x128xf32, #tpu.memory_space<vmem_shared>>
    tpu.enqueue_dma source(%arg10 : memref<80x128xf32, #tpu.memory_space<vmem>>) target(%dma_start3A_63 : memref<80x128xf32, #tpu.memory_space<vmem_shared>>) target_semaphore(%arg13 : memref<!tpu.dma_semaphore, #tpu.memory_space<semaphore_mem>>)
    tpu.wait_dma2 semaphore(%arg13 : memref<!tpu.dma_semaphore, #tpu.memory_space<semaphore_mem>>) src(%arg5 : memref<80x128xf32, #tpu.memory_space<hbm>>) dst(%arg11 : memref<80x128xf32, #tpu.memory_space<vmem>>)
    tpu.wait_dma2 semaphore(%arg13 : memref<!tpu.dma_semaphore, #tpu.memory_space<semaphore_mem>>) src(%arg5 : memref<80x128xf32, #tpu.memory_space<hbm>>) dst(%arg11 : memref<80x128xf32, #tpu.memory_space<vmem>>)
    tpu.wait_dma2 semaphore(%arg13 : memref<!tpu.dma_semaphore, #tpu.memory_space<semaphore_mem>>) src(%arg5 : memref<80x128xf32, #tpu.memory_space<hbm>>) dst(%arg11 : memref<80x128xf32, #tpu.memory_space<vmem>>)
    tpu.wait_dma2 semaphore(%arg13 : memref<!tpu.dma_semaphore, #tpu.memory_space<semaphore_mem>>) src(%arg5 : memref<80x128xf32, #tpu.memory_space<hbm>>) dst(%arg11 : memref<80x128xf32, #tpu.memory_space<vmem>>)
    tpu.wait_dma2 semaphore(%arg13 : memref<!tpu.dma_semaphore, #tpu.memory_space<semaphore_mem>>) src(%arg5 : memref<80x128xf32, #tpu.memory_space<hbm>>) dst(%arg11 : memref<80x128xf32, #tpu.memory_space<vmem>>)
    tpu.wait_dma2 semaphore(%arg13 : memref<!tpu.dma_semaphore, #tpu.memory_space<semaphore_mem>>) src(%arg5 : memref<80x128xf32, #tpu.memory_space<hbm>>) dst(%arg11 : memref<80x128xf32, #tpu.memory_space<vmem>>)
    tpu.wait_dma2 semaphore(%arg13 : memref<!tpu.dma_semaphore, #tpu.memory_space<semaphore_mem>>) src(%arg5 : memref<80x128xf32, #tpu.memory_space<hbm>>) dst(%arg11 : memref<80x128xf32, #tpu.memory_space<vmem>>)
    tpu.wait_dma2 semaphore(%arg13 : memref<!tpu.dma_semaphore, #tpu.memory_space<semaphore_mem>>) src(%arg5 : memref<80x128xf32, #tpu.memory_space<hbm>>) dst(%arg11 : memref<80x128xf32, #tpu.memory_space<vmem>>)
    %broadcast_in_dim3A = arith.constant 0.000000e+00 : f32
    %broadcast_in_dim3A_64 = vector.broadcast %broadcast_in_dim3A : f32 to vector<16xf32>
    %scan3A = arith.constant 0 : i32
    %scan3A_65 = arith.constant 625 : i32
    %scan3A_66 = arith.addi %scan3A, %scan3A_65 : i32
    %scan3A_67 = arith.constant 1 : i32
    scf.for %scan3A_159 = %scan3A to %scan3A_66 step %scan3A_67  : i32 {
      %mul3A_160 = arith.constant 1 : i32
      %mul3A_161 = arith.muli %scan3A_159, %mul3A_160 : i32
      %add3A_162 = arith.constant 0 : i32
      %add3A_163 = arith.addi %add3A_162, %mul3A_161 : i32
      %mul3A_164 = arith.constant 16 : i32
      %mul3A_165 = arith.muli %add3A_163, %mul3A_164 : i32
      %swap3A = arith.constant 0 : i32
      %swap3A_166 = arith.index_cast %swap3A : i32 to index
      %swap3A_167 = arith.index_cast %mul3A_165 : i32 to index
      %swap3A_168 = tpu.vector_load %arg15[%swap3A_166, %swap3A_167] {strides = array<i32>} : memref<1x10000xf32, #tpu.memory_space<vmem>>, vector<16xf32>,
      tpu.vector_store %arg15[%swap3A_166, %swap3A_167], %broadcast_in_dim3A_64 {strides = array<i32>} : memref<1x10000xf32, #tpu.memory_space<vmem>>, vector<16xf32>,
    }
    %scan3A_68 = arith.constant 625 : i32
    %broadcast_in_dim3A_69 = arith.constant 0 : i32
    %broadcast_in_dim3A_70 = vector.broadcast %broadcast_in_dim3A_69 : i32 to vector<16xi32>
    %broadcast_in_dim3A_71 = arith.constant 1.000000e+00 : f32
    %broadcast_in_dim3A_72 = vector.broadcast %broadcast_in_dim3A_71 : f32 to vector<16xf32>
    %barrier3A = arith.constant 0 : index
    tpu.barrier barrier_id(%barrier3A)
    %scan3A_73 = arith.constant 0 : i32
    %scan3A_74 = arith.constant 5 : i32
    %scan3A_75 = arith.addi %scan3A_73, %scan3A_74 : i32
    %scan3A_76 = arith.constant 1 : i32
    scf.for %scan3A_159 = %scan3A_73 to %scan3A_75 step %scan3A_76  : i32 {
      %mul3A_160 = arith.constant 1 : i32
      %mul3A_161 = arith.muli %scan3A_159, %mul3A_160 : i32
      %add3A_162 = arith.constant 0 : i32
      %add3A_163 = arith.addi %add3A_162, %mul3A_161 : i32
      "tpu.region"() ({
        %run_scoped3A_181 = tpu.sem_alloc : memref<!tpu.dma_semaphore, #tpu.memory_space<semaphore_mem>>
        %dma_start3A_182 = arith.constant 0 : i32
        %dma_start3A_183 = arith.constant 0 : i32
        %dma_start3A_184 = tpu.memref_slice %arg3[%add3A, %add3A_163, %dma_start3A_182, %dma_start3A_183] : memref<32x5x25x80xi32, #tpu.memory_space<hbm>> -> memref<1x1x25x80xi32, #tpu.memory_space<hbm>>
        %dma_start3A_185 = tpu.memref_squeeze %dma_start3A_184 : memref<1x1x25x80xi32, #tpu.memory_space<hbm>> -> memref<25x80xi32, #tpu.memory_space<hbm>>
        %dma_start3A_186 = arith.constant 0 : i32
        %dma_start3A_187 = arith.constant 0 : i32
        %dma_start3A_188 = tpu.memref_slice %arg3[%add3A, %add3A_163, %dma_start3A_186, %dma_start3A_187] : memref<32x5x25x80xi32, #tpu.memory_space<hbm>> -> memref<1x1x25x80xi32, #tpu.memory_space<hbm>>
        %dma_start3A_189 = tpu.memref_squeeze %dma_start3A_188 : memref<1x1x25x80xi32, #tpu.memory_space<hbm>> -> memref<25x80xi32, #tpu.memory_space<hbm>>
        tpu.enqueue_dma source(%dma_start3A_189 : memref<25x80xi32, #tpu.memory_space<hbm>>) target(%arg8 : memref<25x80xi32, #tpu.memory_space<vmem>>) target_semaphore(%run_scoped3A_181 : memref<!tpu.dma_semaphore, #tpu.memory_space<semaphore_mem>>)
        %dma_wait3A = arith.constant 0 : i32
        %dma_wait3A_190 = arith.constant 0 : i32
        %dma_wait3A_191 = tpu.memref_slice %arg3[%add3A, %add3A_163, %dma_wait3A, %dma_wait3A_190] : memref<32x5x25x80xi32, #tpu.memory_space<hbm>> -> memref<1x1x25x80xi32, #tpu.memory_space<hbm>>
        %dma_wait3A_192 = tpu.memref_squeeze %dma_wait3A_191 : memref<1x1x25x80xi32, #tpu.memory_space<hbm>> -> memref<25x80xi32, #tpu.memory_space<hbm>>
        %dma_wait3A_193 = arith.constant 0 : i32
        %dma_wait3A_194 = arith.constant 0 : i32
        %dma_wait3A_195 = tpu.memref_slice %arg3[%add3A, %add3A_163, %dma_wait3A_193, %dma_wait3A_194] : memref<32x5x25x80xi32, #tpu.memory_space<hbm>> -> memref<1x1x25x80xi32, #tpu.memory_space<hbm>>
        %dma_wait3A_196 = tpu.memref_squeeze %dma_wait3A_195 : memref<1x1x25x80xi32, #tpu.memory_space<hbm>> -> memref<25x80xi32, #tpu.memory_space<hbm>>
        tpu.wait_dma2 semaphore(%run_scoped3A_181 : memref<!tpu.dma_semaphore, #tpu.memory_space<semaphore_mem>>) src(%dma_wait3A_196 : memref<25x80xi32, #tpu.memory_space<hbm>>) dst(%arg8 : memref<25x80xi32, #tpu.memory_space<vmem>>)
        tpu.yield
      }) : () -> ()
      "tpu.region"() ({
        %run_scoped3A_181 = tpu.sem_alloc : memref<!tpu.dma_semaphore, #tpu.memory_space<semaphore_mem>>
        %dma_start3A_182 = arith.constant 0 : i32
        %dma_start3A_183 = arith.constant 0 : i32
        %dma_start3A_184 = tpu.memref_slice %arg4[%add3A, %add3A_163, %dma_start3A_182, %dma_start3A_183] : memref<32x5x25x80xi32, #tpu.memory_space<hbm>> -> memref<1x1x25x80xi32, #tpu.memory_space<hbm>>
        %dma_start3A_185 = tpu.memref_squeeze %dma_start3A_184 : memref<1x1x25x80xi32, #tpu.memory_space<hbm>> -> memref<25x80xi32, #tpu.memory_space<hbm>>
        %dma_start3A_186 = arith.constant 0 : i32
        %dma_start3A_187 = arith.constant 0 : i32
        %dma_start3A_188 = tpu.memref_slice %arg4[%add3A, %add3A_163, %dma_start3A_186, %dma_start3A_187] : memref<32x5x25x80xi32, #tpu.memory_space<hbm>> -> memref<1x1x25x80xi32, #tpu.memory_space<hbm>>
        %dma_start3A_189 = tpu.memref_squeeze %dma_start3A_188 : memref<1x1x25x80xi32, #tpu.memory_space<hbm>> -> memref<25x80xi32, #tpu.memory_space<hbm>>
        tpu.enqueue_dma source(%dma_start3A_189 : memref<25x80xi32, #tpu.memory_space<hbm>>) target(%arg9 : memref<25x80xi32, #tpu.memory_space<vmem>>) target_semaphore(%run_scoped3A_181 : memref<!tpu.dma_semaphore, #tpu.memory_space<semaphore_mem>>)
        %dma_wait3A = arith.constant 0 : i32
        %dma_wait3A_190 = arith.constant 0 : i32
        %dma_wait3A_191 = tpu.memref_slice %arg4[%add3A, %add3A_163, %dma_wait3A, %dma_wait3A_190] : memref<32x5x25x80xi32, #tpu.memory_space<hbm>> -> memref<1x1x25x80xi32, #tpu.memory_space<hbm>>
        %dma_wait3A_192 = tpu.memref_squeeze %dma_wait3A_191 : memref<1x1x25x80xi32, #tpu.memory_space<hbm>> -> memref<25x80xi32, #tpu.memory_space<hbm>>
        %dma_wait3A_193 = arith.constant 0 : i32
        %dma_wait3A_194 = arith.constant 0 : i32
        %dma_wait3A_195 = tpu.memref_slice %arg4[%add3A, %add3A_163, %dma_wait3A_193, %dma_wait3A_194] : memref<32x5x25x80xi32, #tpu.memory_space<hbm>> -> memref<1x1x25x80xi32, #tpu.memory_space<hbm>>
        %dma_wait3A_196 = tpu.memref_squeeze %dma_wait3A_195 : memref<1x1x25x80xi32, #tpu.memory_space<hbm>> -> memref<25x80xi32, #tpu.memory_space<hbm>>
        tpu.wait_dma2 semaphore(%run_scoped3A_181 : memref<!tpu.dma_semaphore, #tpu.memory_space<semaphore_mem>>) src(%dma_wait3A_196 : memref<25x80xi32, #tpu.memory_space<hbm>>) dst(%arg9 : memref<25x80xi32, #tpu.memory_space<vmem>>)
        tpu.yield
      }) : () -> ()
      %dma_start3A_164 = arith.constant 0 : i32
      %dma_start3A_165 = arith.constant 0 : i32
      %dma_start3A_166 = tpu.memref_slice %arg8[%dma_start3A_164, %dma_start3A_165] : memref<25x80xi32, #tpu.memory_space<vmem>> -> memref<1x80xi32, #tpu.memory_space<vmem>>
      %dma_start3A_167 = tpu.memref_squeeze %dma_start3A_166 : memref<1x80xi32, #tpu.memory_space<vmem>> -> memref<80xi32, #tpu.memory_space<vmem>>
      %dma_start3A_168 = arith.constant 0 : i32
      %dma_start3A_169 = arith.constant 0 : i32
      %dma_start3A_170 = tpu.memref_slice %arg2[%dma_start3A_168, %dma_start3A_169] : memref<10000x128xf32, #tpu.memory_space<hbm>> -> memref<10000x128xf32, #tpu.memory_space<hbm>>
      tpu.enqueue_indirect_dma source(%dma_start3A_170 : memref<10000x128xf32, #tpu.memory_space<hbm>>) target(%arg10 : memref<80x128xf32, #tpu.memory_space<vmem>>) offsets(%dma_start3A_167 : memref<80xi32, #tpu.memory_space<vmem>>) semaphore(%arg13 : memref<!tpu.dma_semaphore, #tpu.memory_space<semaphore_mem>>)
      %scan3A_171 = arith.constant 0 : i32
      %scan3A_172 = arith.constant 12 : i32
      %scan3A_173 = arith.addi %scan3A_171, %scan3A_172 : i32
      %scan3A_174 = arith.constant 1 : i32
      scf.for %scan3A_181 = %scan3A_171 to %scan3A_173 step %scan3A_174  : i32 {
        %mul3A_182 = arith.constant 1 : i32
        %mul3A_183 = arith.muli %scan3A_181, %mul3A_182 : i32
        %add3A_184 = arith.constant 0 : i32
        %add3A_185 = arith.addi %add3A_184, %mul3A_183 : i32
        %mul3A_186 = arith.constant 2 : i32
        %mul3A_187 = arith.muli %mul3A_186, %add3A_185 : i32
        %add3A_188 = arith.constant 1 : i32
        %add3A_189 = arith.addi %mul3A_187, %add3A_188 : i32
        %dma_start3A_190 = arith.constant 0 : i32
        %dma_start3A_191 = tpu.memref_slice %arg8[%add3A_189, %dma_start3A_190] : memref<25x80xi32, #tpu.memory_space<vmem>> -> memref<1x80xi32, #tpu.memory_space<vmem>>
        %dma_start3A_192 = tpu.memref_squeeze %dma_start3A_191 : memref<1x80xi32, #tpu.memory_space<vmem>> -> memref<80xi32, #tpu.memory_space<vmem>>
        %dma_start3A_193 = arith.constant 0 : i32
        %dma_start3A_194 = arith.constant 0 : i32
        %dma_start3A_195 = tpu.memref_slice %arg2[%dma_start3A_193, %dma_start3A_194] : memref<10000x128xf32, #tpu.memory_space<hbm>> -> memref<10000x128xf32, #tpu.memory_space<hbm>>
        tpu.enqueue_indirect_dma source(%dma_start3A_195 : memref<10000x128xf32, #tpu.memory_space<hbm>>) target(%arg11 : memref<80x128xf32, #tpu.memory_space<vmem>>) offsets(%dma_start3A_192 : memref<80xi32, #tpu.memory_space<vmem>>) semaphore(%arg14 : memref<!tpu.dma_semaphore, #tpu.memory_space<semaphore_mem>>)
        tpu.wait_dma2 semaphore(%arg13 : memref<!tpu.dma_semaphore, #tpu.memory_space<semaphore_mem>>) src(%arg5 : memref<80x128xf32, #tpu.memory_space<hbm>>) dst(%arg10 : memref<80x128xf32, #tpu.memory_space<vmem>>)
        "tpu.region"() ({
          %run_scoped3A_218 = tpu.sem_alloc : memref<!tpu.dma_semaphore, #tpu.memory_space<semaphore_mem>>
          %dma_start3A_219 = arith.constant 0 : i32
          %dma_start3A_220 = tpu.memref_slice %arg9[%mul3A_187, %dma_start3A_219] : memref<25x80xi32, #tpu.memory_space<vmem>> -> memref<1x80xi32, #tpu.memory_space<vmem>>
          %dma_start3A_221 = tpu.memref_squeeze %dma_start3A_220 : memref<1x80xi32, #tpu.memory_space<vmem>> -> memref<80xi32, #tpu.memory_space<vmem>>
          %dma_start3A_222 = arith.constant 0 : i32
          %dma_start3A_223 = arith.constant 0 : i32
          %dma_start3A_224 = tpu.memref_slice %arg12[%dma_start3A_222, %dma_start3A_223] : memref<10240x128xf32, #tpu.memory_space<vmem_shared>> -> memref<10240x128xf32, #tpu.memory_space<vmem_shared>>
          tpu.enqueue_indirect_dma source(%arg10 : memref<80x128xf32, #tpu.memory_space<vmem>>) target(%dma_start3A_224 : memref<10240x128xf32, #tpu.memory_space<vmem_shared>>) offsets(%dma_start3A_221 : memref<80xi32, #tpu.memory_space<vmem>>) semaphore(%run_scoped3A_218 : memref<!tpu.dma_semaphore, #tpu.memory_space<semaphore_mem>>) {add = true}
          %dma_wait3A = arith.constant 0 : i32
          %dma_wait3A_225 = tpu.memref_slice %arg9[%mul3A_187, %dma_wait3A] : memref<25x80xi32, #tpu.memory_space<vmem>> -> memref<1x80xi32, #tpu.memory_space<vmem>>
          %dma_wait3A_226 = tpu.memref_squeeze %dma_wait3A_225 : memref<1x80xi32, #tpu.memory_space<vmem>> -> memref<80xi32, #tpu.memory_space<vmem>>
          %dma_wait3A_227 = arith.constant 0 : i32
          %dma_wait3A_228 = arith.constant 0 : i32
          %dma_wait3A_229 = tpu.memref_slice %arg12[%dma_wait3A_227, %dma_wait3A_228] : memref<10240x128xf32, #tpu.memory_space<vmem_shared>> -> memref<10240x128xf32, #tpu.memory_space<vmem_shared>>
          tpu.wait_indirect_dma semaphore(%run_scoped3A_218 : memref<!tpu.dma_semaphore, #tpu.memory_space<semaphore_mem>>) src(%arg10 : memref<80x128xf32, #tpu.memory_space<vmem>>) dst(%dma_wait3A_229 : memref<10240x128xf32, #tpu.memory_space<vmem_shared>>)
          tpu.yield
        }) : () -> ()
        %add3A_196 = arith.constant 2 : i32
        %add3A_197 = arith.addi %mul3A_187, %add3A_196 : i32
        %dma_start3A_198 = arith.constant 0 : i32
        %dma_start3A_199 = tpu.memref_slice %arg8[%add3A_197, %dma_start3A_198] : memref<25x80xi32, #tpu.memory_space<vmem>> -> memref<1x80xi32, #tpu.memory_space<vmem>>
        %dma_start3A_200 = tpu.memref_squeeze %dma_start3A_199 : memref<1x80xi32, #tpu.memory_space<vmem>> -> memref<80xi32, #tpu.memory_space<vmem>>
        %dma_start3A_201 = arith.constant 0 : i32
        %dma_start3A_202 = arith.constant 0 : i32
        %dma_start3A_203 = tpu.memref_slice %arg2[%dma_start3A_201, %dma_start3A_202] : memref<10000x128xf32, #tpu.memory_space<hbm>> -> memref<10000x128xf32, #tpu.memory_space<hbm>>
        tpu.enqueue_indirect_dma source(%dma_start3A_203 : memref<10000x128xf32, #tpu.memory_space<hbm>>) target(%arg10 : memref<80x128xf32, #tpu.memory_space<vmem>>) offsets(%dma_start3A_200 : memref<80xi32, #tpu.memory_space<vmem>>) semaphore(%arg13 : memref<!tpu.dma_semaphore, #tpu.memory_space<semaphore_mem>>)
        %scan3A_204 = arith.constant 0 : i32
        %scan3A_205 = arith.constant 5 : i32
        %scan3A_206 = arith.addi %scan3A_204, %scan3A_205 : i32
        %scan3A_207 = arith.constant 1 : i32
        scf.for %scan3A_218 = %scan3A_204 to %scan3A_206 step %scan3A_207  : i32 {
          %mul3A_219 = arith.constant 1 : i32
          %mul3A_220 = arith.muli %scan3A_218, %mul3A_219 : i32
          %add3A_221 = arith.constant 0 : i32
          %add3A_222 = arith.addi %add3A_221, %mul3A_220 : i32
          %mul3A_223 = arith.constant 16 : i32
          %mul3A_224 = arith.muli %add3A_222, %mul3A_223 : i32
          %get3A = arith.index_cast %mul3A_187 : i32 to index
          %get3A_225 = arith.index_cast %mul3A_224 : i32 to index
          %get3A_226 = tpu.vector_load %arg9[%get3A, %get3A_225] {strides = array<i32>} : memref<25x80xi32, #tpu.memory_space<vmem>>, vector<16xi32>,
          tpu.vector_store_idx %arg15[%broadcast_in_dim3A_70, %get3A_226], %broadcast_in_dim3A_72 {add = true} : memref<1x10000xf32, #tpu.memory_space<vmem>>[vector<16xi32>, vector<16xi32>], vector<16xf32>,
        }
        %scan3A_208 = arith.constant 5 : i32
        tpu.wait_dma2 semaphore(%arg14 : memref<!tpu.dma_semaphore, #tpu.memory_space<semaphore_mem>>) src(%arg5 : memref<80x128xf32, #tpu.memory_space<hbm>>) dst(%arg11 : memref<80x128xf32, #tpu.memory_space<vmem>>)
        %add3A_209 = arith.constant 1 : i32
        %add3A_210 = arith.addi %mul3A_187, %add3A_209 : i32
        "tpu.region"() ({
          %run_scoped3A_218 = tpu.sem_alloc : memref<!tpu.dma_semaphore, #tpu.memory_space<semaphore_mem>>
          %dma_start3A_219 = arith.constant 0 : i32
          %dma_start3A_220 = tpu.memref_slice %arg9[%add3A_210, %dma_start3A_219] : memref<25x80xi32, #tpu.memory_space<vmem>> -> memref<1x80xi32, #tpu.memory_space<vmem>>
          %dma_start3A_221 = tpu.memref_squeeze %dma_start3A_220 : memref<1x80xi32, #tpu.memory_space<vmem>> -> memref<80xi32, #tpu.memory_space<vmem>>
          %dma_start3A_222 = arith.constant 0 : i32
          %dma_start3A_223 = arith.constant 0 : i32
          %dma_start3A_224 = tpu.memref_slice %arg12[%dma_start3A_222, %dma_start3A_223] : memref<10240x128xf32, #tpu.memory_space<vmem_shared>> -> memref<10240x128xf32, #tpu.memory_space<vmem_shared>>
          tpu.enqueue_indirect_dma source(%arg11 : memref<80x128xf32, #tpu.memory_space<vmem>>) target(%dma_start3A_224 : memref<10240x128xf32, #tpu.memory_space<vmem_shared>>) offsets(%dma_start3A_221 : memref<80xi32, #tpu.memory_space<vmem>>) semaphore(%run_scoped3A_218 : memref<!tpu.dma_semaphore, #tpu.memory_space<semaphore_mem>>) {add = true}
          %dma_wait3A = arith.constant 0 : i32
          %dma_wait3A_225 = tpu.memref_slice %arg9[%add3A_210, %dma_wait3A] : memref<25x80xi32, #tpu.memory_space<vmem>> -> memref<1x80xi32, #tpu.memory_space<vmem>>
          %dma_wait3A_226 = tpu.memref_squeeze %dma_wait3A_225 : memref<1x80xi32, #tpu.memory_space<vmem>> -> memref<80xi32, #tpu.memory_space<vmem>>
          %dma_wait3A_227 = arith.constant 0 : i32
          %dma_wait3A_228 = arith.constant 0 : i32
          %dma_wait3A_229 = tpu.memref_slice %arg12[%dma_wait3A_227, %dma_wait3A_228] : memref<10240x128xf32, #tpu.memory_space<vmem_shared>> -> memref<10240x128xf32, #tpu.memory_space<vmem_shared>>
          tpu.wait_indirect_dma semaphore(%run_scoped3A_218 : memref<!tpu.dma_semaphore, #tpu.memory_space<semaphore_mem>>) src(%arg11 : memref<80x128xf32, #tpu.memory_space<vmem>>) dst(%dma_wait3A_229 : memref<10240x128xf32, #tpu.memory_space<vmem_shared>>)
          tpu.yield
        }) : () -> ()
        %add3A_211 = arith.constant 1 : i32
        %add3A_212 = arith.addi %mul3A_187, %add3A_211 : i32
        %scan3A_213 = arith.constant 0 : i32
        %scan3A_214 = arith.constant 5 : i32
        %scan3A_215 = arith.addi %scan3A_213, %scan3A_214 : i32
        %scan3A_216 = arith.constant 1 : i32
        scf.for %scan3A_218 = %scan3A_213 to %scan3A_215 step %scan3A_216  : i32 {
          %mul3A_219 = arith.constant 1 : i32
          %mul3A_220 = arith.muli %scan3A_218, %mul3A_219 : i32
          %add3A_221 = arith.constant 0 : i32
          %add3A_222 = arith.addi %add3A_221, %mul3A_220 : i32
          %mul3A_223 = arith.constant 16 : i32
          %mul3A_224 = arith.muli %add3A_222, %mul3A_223 : i32
          %get3A = arith.index_cast %add3A_212 : i32 to index
          %get3A_225 = arith.index_cast %mul3A_224 : i32 to index
          %get3A_226 = tpu.vector_load %arg9[%get3A, %get3A_225] {strides = array<i32>} : memref<25x80xi32, #tpu.memory_space<vmem>>, vector<16xi32>,
          tpu.vector_store_idx %arg15[%broadcast_in_dim3A_70, %get3A_226], %broadcast_in_dim3A_72 {add = true} : memref<1x10000xf32, #tpu.memory_space<vmem>>[vector<16xi32>, vector<16xi32>], vector<16xf32>,
        }
        %scan3A_217 = arith.constant 5 : i32
      }
      %scan3A_175 = arith.constant 12 : i32
      tpu.wait_dma2 semaphore(%arg13 : memref<!tpu.dma_semaphore, #tpu.memory_space<semaphore_mem>>) src(%arg5 : memref<80x128xf32, #tpu.memory_space<hbm>>) dst(%arg10 : memref<80x128xf32, #tpu.memory_space<vmem>>)
      %run_scoped3A = arith.constant 24 : i32
      "tpu.region"() ({
        %run_scoped3A_181 = tpu.sem_alloc : memref<!tpu.dma_semaphore, #tpu.memory_space<semaphore_mem>>
        %dma_start3A_182 = arith.constant 0 : i32
        %dma_start3A_183 = tpu.memref_slice %arg9[%run_scoped3A, %dma_start3A_182] : memref<25x80xi32, #tpu.memory_space<vmem>> -> memref<1x80xi32, #tpu.memory_space<vmem>>
        %dma_start3A_184 = tpu.memref_squeeze %dma_start3A_183 : memref<1x80xi32, #tpu.memory_space<vmem>> -> memref<80xi32, #tpu.memory_space<vmem>>
        %dma_start3A_185 = arith.constant 0 : i32
        %dma_start3A_186 = arith.constant 0 : i32
        %dma_start3A_187 = tpu.memref_slice %arg12[%dma_start3A_185, %dma_start3A_186] : memref<10240x128xf32, #tpu.memory_space<vmem_shared>> -> memref<10240x128xf32, #tpu.memory_space<vmem_shared>>
        tpu.enqueue_indirect_dma source(%arg10 : memref<80x128xf32, #tpu.memory_space<vmem>>) target(%dma_start3A_187 : memref<10240x128xf32, #tpu.memory_space<vmem_shared>>) offsets(%dma_start3A_184 : memref<80xi32, #tpu.memory_space<vmem>>) semaphore(%run_scoped3A_181 : memref<!tpu.dma_semaphore, #tpu.memory_space<semaphore_mem>>) {add = true}
        %dma_wait3A = arith.constant 0 : i32
        %dma_wait3A_188 = tpu.memref_slice %arg9[%run_scoped3A, %dma_wait3A] : memref<25x80xi32, #tpu.memory_space<vmem>> -> memref<1x80xi32, #tpu.memory_space<vmem>>
        %dma_wait3A_189 = tpu.memref_squeeze %dma_wait3A_188 : memref<1x80xi32, #tpu.memory_space<vmem>> -> memref<80xi32, #tpu.memory_space<vmem>>
        %dma_wait3A_190 = arith.constant 0 : i32
        %dma_wait3A_191 = arith.constant 0 : i32
        %dma_wait3A_192 = tpu.memref_slice %arg12[%dma_wait3A_190, %dma_wait3A_191] : memref<10240x128xf32, #tpu.memory_space<vmem_shared>> -> memref<10240x128xf32, #tpu.memory_space<vmem_shared>>
        tpu.wait_indirect_dma semaphore(%run_scoped3A_181 : memref<!tpu.dma_semaphore, #tpu.memory_space<semaphore_mem>>) src(%arg10 : memref<80x128xf32, #tpu.memory_space<vmem>>) dst(%dma_wait3A_192 : memref<10240x128xf32, #tpu.memory_space<vmem_shared>>)
        tpu.yield
      }) : () -> ()
      %scan3A_176 = arith.constant 0 : i32
      %scan3A_177 = arith.constant 5 : i32
      %scan3A_178 = arith.addi %scan3A_176, %scan3A_177 : i32
      %scan3A_179 = arith.constant 1 : i32
      scf.for %scan3A_181 = %scan3A_176 to %scan3A_178 step %scan3A_179  : i32 {
        %mul3A_182 = arith.constant 1 : i32
        %mul3A_183 = arith.muli %scan3A_181, %mul3A_182 : i32
        %add3A_184 = arith.constant 0 : i32
        %add3A_185 = arith.addi %add3A_184, %mul3A_183 : i32
        %mul3A_186 = arith.constant 16 : i32
        %mul3A_187 = arith.muli %add3A_185, %mul3A_186 : i32
        %get3A = arith.constant 24 : i32
        %get3A_188 = arith.index_cast %get3A : i32 to index
        %get3A_189 = arith.index_cast %mul3A_187 : i32 to index
        %get3A_190 = tpu.vector_load %arg9[%get3A_188, %get3A_189] {strides = array<i32>} : memref<25x80xi32, #tpu.memory_space<vmem>>, vector<16xi32>,
        tpu.vector_store_idx %arg15[%broadcast_in_dim3A_70, %get3A_190], %broadcast_in_dim3A_72 {add = true} : memref<1x10000xf32, #tpu.memory_space<vmem>>[vector<16xi32>, vector<16xi32>], vector<16xf32>,
      }
      %scan3A_180 = arith.constant 5 : i32
    }
    %scan3A_77 = arith.constant 5 : i32
    %barrier3A_78 = arith.constant 0 : index
    tpu.barrier barrier_id(%barrier3A_78)
    %mul3A_79 = arith.constant 640 : i32
    %mul3A_80 = arith.muli %arg1, %mul3A_79 : i32
    %add3A_81 = arith.constant 0 : i32
    %add3A_82 = arith.addi %mul3A_80, %add3A_81 : i32
    "tpu.region"() ({
      %run_scoped3A = tpu.sem_alloc : memref<!tpu.dma_semaphore, #tpu.memory_space<semaphore_mem>>
      %dma_start3A_159 = arith.constant 0 : i32
      %dma_start3A_160 = tpu.memref_slice %arg12[%add3A_82, %dma_start3A_159] : memref<10240x128xf32, #tpu.memory_space<vmem_shared>> -> memref<80x128xf32, #tpu.memory_space<vmem_shared>>
      %dma_start3A_161 = arith.constant 0 : i32
      %dma_start3A_162 = tpu.memref_slice %arg12[%add3A_82, %dma_start3A_161] : memref<10240x128xf32, #tpu.memory_space<vmem_shared>> -> memref<80x128xf32, #tpu.memory_space<vmem_shared>>
      tpu.enqueue_dma source(%dma_start3A_162 : memref<80x128xf32, #tpu.memory_space<vmem_shared>>) target(%arg10 : memref<80x128xf32, #tpu.memory_space<vmem>>) target_semaphore(%run_scoped3A : memref<!tpu.dma_semaphore, #tpu.memory_space<semaphore_mem>>)
      %dma_wait3A = arith.constant 0 : i32
      %dma_wait3A_163 = tpu.memref_slice %arg12[%add3A_82, %dma_wait3A] : memref<10240x128xf32, #tpu.memory_space<vmem_shared>> -> memref<80x128xf32, #tpu.memory_space<vmem_shared>>
      %dma_wait3A_164 = arith.constant 0 : i32
      %dma_wait3A_165 = tpu.memref_slice %arg12[%add3A_82, %dma_wait3A_164] : memref<10240x128xf32, #tpu.memory_space<vmem_shared>> -> memref<80x128xf32, #tpu.memory_space<vmem_shared>>
      tpu.wait_dma2 semaphore(%run_scoped3A : memref<!tpu.dma_semaphore, #tpu.memory_space<semaphore_mem>>) src(%dma_wait3A_165 : memref<80x128xf32, #tpu.memory_space<vmem_shared>>) dst(%arg10 : memref<80x128xf32, #tpu.memory_space<vmem>>)
      tpu.yield
    }) : () -> ()
    %dma_start3A_83 = arith.constant 0 : i32
    %dma_start3A_84 = tpu.memref_slice %arg6[%arg0, %add3A_82, %dma_start3A_83] : memref<2x10240x128xf32, #tpu.memory_space<hbm>> -> memref<1x80x128xf32, #tpu.memory_space<hbm>>
    %dma_start3A_85 = tpu.memref_squeeze %dma_start3A_84 : memref<1x80x128xf32, #tpu.memory_space<hbm>> -> memref<80x128xf32, #tpu.memory_space<hbm>>
    %dma_start3A_86 = arith.constant 0 : i32
    %dma_start3A_87 = tpu.memref_slice %arg6[%arg0, %add3A_82, %dma_start3A_86] : memref<2x10240x128xf32, #tpu.memory_space<hbm>> -> memref<1x80x128xf32, #tpu.memory_space<hbm>>
    %dma_start3A_88 = tpu.memref_squeeze %dma_start3A_87 : memref<1x80x128xf32, #tpu.memory_space<hbm>> -> memref<80x128xf32, #tpu.memory_space<hbm>>
    tpu.enqueue_dma source(%arg10 : memref<80x128xf32, #tpu.memory_space<vmem>>) target(%dma_start3A_88 : memref<80x128xf32, #tpu.memory_space<hbm>>) target_semaphore(%arg13 : memref<!tpu.dma_semaphore, #tpu.memory_space<semaphore_mem>>)
    %mul3A_89 = arith.constant 640 : i32
    %mul3A_90 = arith.muli %arg1, %mul3A_89 : i32
    %add3A_91 = arith.constant 80 : i32
    %add3A_92 = arith.addi %mul3A_90, %add3A_91 : i32
    "tpu.region"() ({
      %run_scoped3A = tpu.sem_alloc : memref<!tpu.dma_semaphore, #tpu.memory_space<semaphore_mem>>
      %dma_start3A_159 = arith.constant 0 : i32
      %dma_start3A_160 = tpu.memref_slice %arg12[%add3A_92, %dma_start3A_159] : memref<10240x128xf32, #tpu.memory_space<vmem_shared>> -> memref<80x128xf32, #tpu.memory_space<vmem_shared>>
      %dma_start3A_161 = arith.constant 0 : i32
      %dma_start3A_162 = tpu.memref_slice %arg12[%add3A_92, %dma_start3A_161] : memref<10240x128xf32, #tpu.memory_space<vmem_shared>> -> memref<80x128xf32, #tpu.memory_space<vmem_shared>>
      tpu.enqueue_dma source(%dma_start3A_162 : memref<80x128xf32, #tpu.memory_space<vmem_shared>>) target(%arg11 : memref<80x128xf32, #tpu.memory_space<vmem>>) target_semaphore(%run_scoped3A : memref<!tpu.dma_semaphore, #tpu.memory_space<semaphore_mem>>)
      %dma_wait3A = arith.constant 0 : i32
      %dma_wait3A_163 = tpu.memref_slice %arg12[%add3A_92, %dma_wait3A] : memref<10240x128xf32, #tpu.memory_space<vmem_shared>> -> memref<80x128xf32, #tpu.memory_space<vmem_shared>>
      %dma_wait3A_164 = arith.constant 0 : i32
      %dma_wait3A_165 = tpu.memref_slice %arg12[%add3A_92, %dma_wait3A_164] : memref<10240x128xf32, #tpu.memory_space<vmem_shared>> -> memref<80x128xf32, #tpu.memory_space<vmem_shared>>
      tpu.wait_dma2 semaphore(%run_scoped3A : memref<!tpu.dma_semaphore, #tpu.memory_space<semaphore_mem>>) src(%dma_wait3A_165 : memref<80x128xf32, #tpu.memory_space<vmem_shared>>) dst(%arg11 : memref<80x128xf32, #tpu.memory_space<vmem>>)
      tpu.yield
    }) : () -> ()
    %dma_start3A_93 = arith.constant 0 : i32
    %dma_start3A_94 = tpu.memref_slice %arg6[%arg0, %add3A_92, %dma_start3A_93] : memref<2x10240x128xf32, #tpu.memory_space<hbm>> -> memref<1x80x128xf32, #tpu.memory_space<hbm>>
    %dma_start3A_95 = tpu.memref_squeeze %dma_start3A_94 : memref<1x80x128xf32, #tpu.memory_space<hbm>> -> memref<80x128xf32, #tpu.memory_space<hbm>>
    %dma_start3A_96 = arith.constant 0 : i32
    %dma_start3A_97 = tpu.memref_slice %arg6[%arg0, %add3A_92, %dma_start3A_96] : memref<2x10240x128xf32, #tpu.memory_space<hbm>> -> memref<1x80x128xf32, #tpu.memory_space<hbm>>
    %dma_start3A_98 = tpu.memref_squeeze %dma_start3A_97 : memref<1x80x128xf32, #tpu.memory_space<hbm>> -> memref<80x128xf32, #tpu.memory_space<hbm>>
    tpu.enqueue_dma source(%arg11 : memref<80x128xf32, #tpu.memory_space<vmem>>) target(%dma_start3A_98 : memref<80x128xf32, #tpu.memory_space<hbm>>) target_semaphore(%arg14 : memref<!tpu.dma_semaphore, #tpu.memory_space<semaphore_mem>>)
    %mul3A_99 = arith.constant 640 : i32
    %mul3A_100 = arith.muli %arg1, %mul3A_99 : i32
    %add3A_101 = arith.constant 160 : i32
    %add3A_102 = arith.addi %mul3A_100, %add3A_101 : i32
    tpu.wait_dma2 semaphore(%arg13 : memref<!tpu.dma_semaphore, #tpu.memory_space<semaphore_mem>>) src(%arg5 : memref<80x128xf32, #tpu.memory_space<hbm>>) dst(%arg10 : memref<80x128xf32, #tpu.memory_space<vmem>>)
    "tpu.region"() ({
      %run_scoped3A = tpu.sem_alloc : memref<!tpu.dma_semaphore, #tpu.memory_space<semaphore_mem>>
      %dma_start3A_159 = arith.constant 0 : i32
      %dma_start3A_160 = tpu.memref_slice %arg12[%add3A_102, %dma_start3A_159] : memref<10240x128xf32, #tpu.memory_space<vmem_shared>> -> memref<80x128xf32, #tpu.memory_space<vmem_shared>>
      %dma_start3A_161 = arith.constant 0 : i32
      %dma_start3A_162 = tpu.memref_slice %arg12[%add3A_102, %dma_start3A_161] : memref<10240x128xf32, #tpu.memory_space<vmem_shared>> -> memref<80x128xf32, #tpu.memory_space<vmem_shared>>
      tpu.enqueue_dma source(%dma_start3A_162 : memref<80x128xf32, #tpu.memory_space<vmem_shared>>) target(%arg10 : memref<80x128xf32, #tpu.memory_space<vmem>>) target_semaphore(%run_scoped3A : memref<!tpu.dma_semaphore, #tpu.memory_space<semaphore_mem>>)
      %dma_wait3A = arith.constant 0 : i32
      %dma_wait3A_163 = tpu.memref_slice %arg12[%add3A_102, %dma_wait3A] : memref<10240x128xf32, #tpu.memory_space<vmem_shared>> -> memref<80x128xf32, #tpu.memory_space<vmem_shared>>
      %dma_wait3A_164 = arith.constant 0 : i32
      %dma_wait3A_165 = tpu.memref_slice %arg12[%add3A_102, %dma_wait3A_164] : memref<10240x128xf32, #tpu.memory_space<vmem_shared>> -> memref<80x128xf32, #tpu.memory_space<vmem_shared>>
      tpu.wait_dma2 semaphore(%run_scoped3A : memref<!tpu.dma_semaphore, #tpu.memory_space<semaphore_mem>>) src(%dma_wait3A_165 : memref<80x128xf32, #tpu.memory_space<vmem_shared>>) dst(%arg10 : memref<80x128xf32, #tpu.memory_space<vmem>>)
      tpu.yield
    }) : () -> ()
    %dma_start3A_103 = arith.constant 0 : i32
    %dma_start3A_104 = tpu.memref_slice %arg6[%arg0, %add3A_102, %dma_start3A_103] : memref<2x10240x128xf32, #tpu.memory_space<hbm>> -> memref<1x80x128xf32, #tpu.memory_space<hbm>>
    %dma_start3A_105 = tpu.memref_squeeze %dma_start3A_104 : memref<1x80x128xf32, #tpu.memory_space<hbm>> -> memref<80x128xf32, #tpu.memory_space<hbm>>
    %dma_start3A_106 = arith.constant 0 : i32
    %dma_start3A_107 = tpu.memref_slice %arg6[%arg0, %add3A_102, %dma_start3A_106] : memref<2x10240x128xf32, #tpu.memory_space<hbm>> -> memref<1x80x128xf32, #tpu.memory_space<hbm>>
    %dma_start3A_108 = tpu.memref_squeeze %dma_start3A_107 : memref<1x80x128xf32, #tpu.memory_space<hbm>> -> memref<80x128xf32, #tpu.memory_space<hbm>>
    tpu.enqueue_dma source(%arg10 : memref<80x128xf32, #tpu.memory_space<vmem>>) target(%dma_start3A_108 : memref<80x128xf32, #tpu.memory_space<hbm>>) target_semaphore(%arg13 : memref<!tpu.dma_semaphore, #tpu.memory_space<semaphore_mem>>)
    %mul3A_109 = arith.constant 640 : i32
    %mul3A_110 = arith.muli %arg1, %mul3A_109 : i32
    %add3A_111 = arith.constant 240 : i32
    %add3A_112 = arith.addi %mul3A_110, %add3A_111 : i32
    tpu.wait_dma2 semaphore(%arg14 : memref<!tpu.dma_semaphore, #tpu.memory_space<semaphore_mem>>) src(%arg5 : memref<80x128xf32, #tpu.memory_space<hbm>>) dst(%arg11 : memref<80x128xf32, #tpu.memory_space<vmem>>)
    "tpu.region"() ({
      %run_scoped3A = tpu.sem_alloc : memref<!tpu.dma_semaphore, #tpu.memory_space<semaphore_mem>>
      %dma_start3A_159 = arith.constant 0 : i32
      %dma_start3A_160 = tpu.memref_slice %arg12[%add3A_112, %dma_start3A_159] : memref<10240x128xf32, #tpu.memory_space<vmem_shared>> -> memref<80x128xf32, #tpu.memory_space<vmem_shared>>
      %dma_start3A_161 = arith.constant 0 : i32
      %dma_start3A_162 = tpu.memref_slice %arg12[%add3A_112, %dma_start3A_161] : memref<10240x128xf32, #tpu.memory_space<vmem_shared>> -> memref<80x128xf32, #tpu.memory_space<vmem_shared>>
      tpu.enqueue_dma source(%dma_start3A_162 : memref<80x128xf32, #tpu.memory_space<vmem_shared>>) target(%arg11 : memref<80x128xf32, #tpu.memory_space<vmem>>) target_semaphore(%run_scoped3A : memref<!tpu.dma_semaphore, #tpu.memory_space<semaphore_mem>>)
      %dma_wait3A = arith.constant 0 : i32
      %dma_wait3A_163 = tpu.memref_slice %arg12[%add3A_112, %dma_wait3A] : memref<10240x128xf32, #tpu.memory_space<vmem_shared>> -> memref<80x128xf32, #tpu.memory_space<vmem_shared>>
      %dma_wait3A_164 = arith.constant 0 : i32
      %dma_wait3A_165 = tpu.memref_slice %arg12[%add3A_112, %dma_wait3A_164] : memref<10240x128xf32, #tpu.memory_space<vmem_shared>> -> memref<80x128xf32, #tpu.memory_space<vmem_shared>>
      tpu.wait_dma2 semaphore(%run_scoped3A : memref<!tpu.dma_semaphore, #tpu.memory_space<semaphore_mem>>) src(%dma_wait3A_165 : memref<80x128xf32, #tpu.memory_space<vmem_shared>>) dst(%arg11 : memref<80x128xf32, #tpu.memory_space<vmem>>)
      tpu.yield
    }) : () -> ()
    %dma_start3A_113 = arith.constant 0 : i32
    %dma_start3A_114 = tpu.memref_slice %arg6[%arg0, %add3A_112, %dma_start3A_113] : memref<2x10240x128xf32, #tpu.memory_space<hbm>> -> memref<1x80x128xf32, #tpu.memory_space<hbm>>
    %dma_start3A_115 = tpu.memref_squeeze %dma_start3A_114 : memref<1x80x128xf32, #tpu.memory_space<hbm>> -> memref<80x128xf32, #tpu.memory_space<hbm>>
    %dma_start3A_116 = arith.constant 0 : i32
    %dma_start3A_117 = tpu.memref_slice %arg6[%arg0, %add3A_112, %dma_start3A_116] : memref<2x10240x128xf32, #tpu.memory_space<hbm>> -> memref<1x80x128xf32, #tpu.memory_space<hbm>>
    %dma_start3A_118 = tpu.memref_squeeze %dma_start3A_117 : memref<1x80x128xf32, #tpu.memory_space<hbm>> -> memref<80x128xf32, #tpu.memory_space<hbm>>
    tpu.enqueue_dma source(%arg11 : memref<80x128xf32, #tpu.memory_space<vmem>>) target(%dma_start3A_118 : memref<80x128xf32, #tpu.memory_space<hbm>>) target_semaphore(%arg14 : memref<!tpu.dma_semaphore, #tpu.memory_space<semaphore_mem>>)
    %mul3A_119 = arith.constant 640 : i32
    %mul3A_120 = arith.muli %arg1, %mul3A_119 : i32
    %add3A_121 = arith.constant 320 : i32
    %add3A_122 = arith.addi %mul3A_120, %add3A_121 : i32
    tpu.wait_dma2 semaphore(%arg13 : memref<!tpu.dma_semaphore, #tpu.memory_space<semaphore_mem>>) src(%arg5 : memref<80x128xf32, #tpu.memory_space<hbm>>) dst(%arg10 : memref<80x128xf32, #tpu.memory_space<vmem>>)
    "tpu.region"() ({
      %run_scoped3A = tpu.sem_alloc : memref<!tpu.dma_semaphore, #tpu.memory_space<semaphore_mem>>
      %dma_start3A_159 = arith.constant 0 : i32
      %dma_start3A_160 = tpu.memref_slice %arg12[%add3A_122, %dma_start3A_159] : memref<10240x128xf32, #tpu.memory_space<vmem_shared>> -> memref<80x128xf32, #tpu.memory_space<vmem_shared>>
      %dma_start3A_161 = arith.constant 0 : i32
      %dma_start3A_162 = tpu.memref_slice %arg12[%add3A_122, %dma_start3A_161] : memref<10240x128xf32, #tpu.memory_space<vmem_shared>> -> memref<80x128xf32, #tpu.memory_space<vmem_shared>>
      tpu.enqueue_dma source(%dma_start3A_162 : memref<80x128xf32, #tpu.memory_space<vmem_shared>>) target(%arg10 : memref<80x128xf32, #tpu.memory_space<vmem>>) target_semaphore(%run_scoped3A : memref<!tpu.dma_semaphore, #tpu.memory_space<semaphore_mem>>)
      %dma_wait3A = arith.constant 0 : i32
      %dma_wait3A_163 = tpu.memref_slice %arg12[%add3A_122, %dma_wait3A] : memref<10240x128xf32, #tpu.memory_space<vmem_shared>> -> memref<80x128xf32, #tpu.memory_space<vmem_shared>>
      %dma_wait3A_164 = arith.constant 0 : i32
      %dma_wait3A_165 = tpu.memref_slice %arg12[%add3A_122, %dma_wait3A_164] : memref<10240x128xf32, #tpu.memory_space<vmem_shared>> -> memref<80x128xf32, #tpu.memory_space<vmem_shared>>
      tpu.wait_dma2 semaphore(%run_scoped3A : memref<!tpu.dma_semaphore, #tpu.memory_space<semaphore_mem>>) src(%dma_wait3A_165 : memref<80x128xf32, #tpu.memory_space<vmem_shared>>) dst(%arg10 : memref<80x128xf32, #tpu.memory_space<vmem>>)
      tpu.yield
    }) : () -> ()
    %dma_start3A_123 = arith.constant 0 : i32
    %dma_start3A_124 = tpu.memref_slice %arg6[%arg0, %add3A_122, %dma_start3A_123] : memref<2x10240x128xf32, #tpu.memory_space<hbm>> -> memref<1x80x128xf32, #tpu.memory_space<hbm>>
    %dma_start3A_125 = tpu.memref_squeeze %dma_start3A_124 : memref<1x80x128xf32, #tpu.memory_space<hbm>> -> memref<80x128xf32, #tpu.memory_space<hbm>>
    %dma_start3A_126 = arith.constant 0 : i32
    %dma_start3A_127 = tpu.memref_slice %arg6[%arg0, %add3A_122, %dma_start3A_126] : memref<2x10240x128xf32, #tpu.memory_space<hbm>> -> memref<1x80x128xf32, #tpu.memory_space<hbm>>
    %dma_start3A_128 = tpu.memref_squeeze %dma_start3A_127 : memref<1x80x128xf32, #tpu.memory_space<hbm>> -> memref<80x128xf32, #tpu.memory_space<hbm>>
    tpu.enqueue_dma source(%arg10 : memref<80x128xf32, #tpu.memory_space<vmem>>) target(%dma_start3A_128 : memref<80x128xf32, #tpu.memory_space<hbm>>) target_semaphore(%arg13 : memref<!tpu.dma_semaphore, #tpu.memory_space<semaphore_mem>>)
    %mul3A_129 = arith.constant 640 : i32
    %mul3A_130 = arith.muli %arg1, %mul3A_129 : i32
    %add3A_131 = arith.constant 400 : i32
    %add3A_132 = arith.addi %mul3A_130, %add3A_131 : i32
    tpu.wait_dma2 semaphore(%arg14 : memref<!tpu.dma_semaphore, #tpu.memory_space<semaphore_mem>>) src(%arg5 : memref<80x128xf32, #tpu.memory_space<hbm>>) dst(%arg11 : memref<80x128xf32, #tpu.memory_space<vmem>>)
    "tpu.region"() ({
      %run_scoped3A = tpu.sem_alloc : memref<!tpu.dma_semaphore, #tpu.memory_space<semaphore_mem>>
      %dma_start3A_159 = arith.constant 0 : i32
      %dma_start3A_160 = tpu.memref_slice %arg12[%add3A_132, %dma_start3A_159] : memref<10240x128xf32, #tpu.memory_space<vmem_shared>> -> memref<80x128xf32, #tpu.memory_space<vmem_shared>>
      %dma_start3A_161 = arith.constant 0 : i32
      %dma_start3A_162 = tpu.memref_slice %arg12[%add3A_132, %dma_start3A_161] : memref<10240x128xf32, #tpu.memory_space<vmem_shared>> -> memref<80x128xf32, #tpu.memory_space<vmem_shared>>
      tpu.enqueue_dma source(%dma_start3A_162 : memref<80x128xf32, #tpu.memory_space<vmem_shared>>) target(%arg11 : memref<80x128xf32, #tpu.memory_space<vmem>>) target_semaphore(%run_scoped3A : memref<!tpu.dma_semaphore, #tpu.memory_space<semaphore_mem>>)
      %dma_wait3A = arith.constant 0 : i32
      %dma_wait3A_163 = tpu.memref_slice %arg12[%add3A_132, %dma_wait3A] : memref<10240x128xf32, #tpu.memory_space<vmem_shared>> -> memref<80x128xf32, #tpu.memory_space<vmem_shared>>
      %dma_wait3A_164 = arith.constant 0 : i32
      %dma_wait3A_165 = tpu.memref_slice %arg12[%add3A_132, %dma_wait3A_164] : memref<10240x128xf32, #tpu.memory_space<vmem_shared>> -> memref<80x128xf32, #tpu.memory_space<vmem_shared>>
      tpu.wait_dma2 semaphore(%run_scoped3A : memref<!tpu.dma_semaphore, #tpu.memory_space<semaphore_mem>>) src(%dma_wait3A_165 : memref<80x128xf32, #tpu.memory_space<vmem_shared>>) dst(%arg11 : memref<80x128xf32, #tpu.memory_space<vmem>>)
      tpu.yield
    }) : () -> ()
    %dma_start3A_133 = arith.constant 0 : i32
    %dma_start3A_134 = tpu.memref_slice %arg6[%arg0, %add3A_132, %dma_start3A_133] : memref<2x10240x128xf32, #tpu.memory_space<hbm>> -> memref<1x80x128xf32, #tpu.memory_space<hbm>>
    %dma_start3A_135 = tpu.memref_squeeze %dma_start3A_134 : memref<1x80x128xf32, #tpu.memory_space<hbm>> -> memref<80x128xf32, #tpu.memory_space<hbm>>
    %dma_start3A_136 = arith.constant 0 : i32
    %dma_start3A_137 = tpu.memref_slice %arg6[%arg0, %add3A_132, %dma_start3A_136] : memref<2x10240x128xf32, #tpu.memory_space<hbm>> -> memref<1x80x128xf32, #tpu.memory_space<hbm>>
    %dma_start3A_138 = tpu.memref_squeeze %dma_start3A_137 : memref<1x80x128xf32, #tpu.memory_space<hbm>> -> memref<80x128xf32, #tpu.memory_space<hbm>>
    tpu.enqueue_dma source(%arg11 : memref<80x128xf32, #tpu.memory_space<vmem>>) target(%dma_start3A_138 : memref<80x128xf32, #tpu.memory_space<hbm>>) target_semaphore(%arg14 : memref<!tpu.dma_semaphore, #tpu.memory_space<semaphore_mem>>)
    %mul3A_139 = arith.constant 640 : i32
    %mul3A_140 = arith.muli %arg1, %mul3A_139 : i32
    %add3A_141 = arith.constant 480 : i32
    %add3A_142 = arith.addi %mul3A_140, %add3A_141 : i32
    tpu.wait_dma2 semaphore(%arg13 : memref<!tpu.dma_semaphore, #tpu.memory_space<semaphore_mem>>) src(%arg5 : memref<80x128xf32, #tpu.memory_space<hbm>>) dst(%arg10 : memref<80x128xf32, #tpu.memory_space<vmem>>)
    "tpu.region"() ({
      %run_scoped3A = tpu.sem_alloc : memref<!tpu.dma_semaphore, #tpu.memory_space<semaphore_mem>>
      %dma_start3A_159 = arith.constant 0 : i32
      %dma_start3A_160 = tpu.memref_slice %arg12[%add3A_142, %dma_start3A_159] : memref<10240x128xf32, #tpu.memory_space<vmem_shared>> -> memref<80x128xf32, #tpu.memory_space<vmem_shared>>
      %dma_start3A_161 = arith.constant 0 : i32
      %dma_start3A_162 = tpu.memref_slice %arg12[%add3A_142, %dma_start3A_161] : memref<10240x128xf32, #tpu.memory_space<vmem_shared>> -> memref<80x128xf32, #tpu.memory_space<vmem_shared>>
      tpu.enqueue_dma source(%dma_start3A_162 : memref<80x128xf32, #tpu.memory_space<vmem_shared>>) target(%arg10 : memref<80x128xf32, #tpu.memory_space<vmem>>) target_semaphore(%run_scoped3A : memref<!tpu.dma_semaphore, #tpu.memory_space<semaphore_mem>>)
      %dma_wait3A = arith.constant 0 : i32
      %dma_wait3A_163 = tpu.memref_slice %arg12[%add3A_142, %dma_wait3A] : memref<10240x128xf32, #tpu.memory_space<vmem_shared>> -> memref<80x128xf32, #tpu.memory_space<vmem_shared>>
      %dma_wait3A_164 = arith.constant 0 : i32
      %dma_wait3A_165 = tpu.memref_slice %arg12[%add3A_142, %dma_wait3A_164] : memref<10240x128xf32, #tpu.memory_space<vmem_shared>> -> memref<80x128xf32, #tpu.memory_space<vmem_shared>>
      tpu.wait_dma2 semaphore(%run_scoped3A : memref<!tpu.dma_semaphore, #tpu.memory_space<semaphore_mem>>) src(%dma_wait3A_165 : memref<80x128xf32, #tpu.memory_space<vmem_shared>>) dst(%arg10 : memref<80x128xf32, #tpu.memory_space<vmem>>)
      tpu.yield
    }) : () -> ()
    %dma_start3A_143 = arith.constant 0 : i32
    %dma_start3A_144 = tpu.memref_slice %arg6[%arg0, %add3A_142, %dma_start3A_143] : memref<2x10240x128xf32, #tpu.memory_space<hbm>> -> memref<1x80x128xf32, #tpu.memory_space<hbm>>
    %dma_start3A_145 = tpu.memref_squeeze %dma_start3A_144 : memref<1x80x128xf32, #tpu.memory_space<hbm>> -> memref<80x128xf32, #tpu.memory_space<hbm>>
    %dma_start3A_146 = arith.constant 0 : i32
    %dma_start3A_147 = tpu.memref_slice %arg6[%arg0, %add3A_142, %dma_start3A_146] : memref<2x10240x128xf32, #tpu.memory_space<hbm>> -> memref<1x80x128xf32, #tpu.memory_space<hbm>>
    %dma_start3A_148 = tpu.memref_squeeze %dma_start3A_147 : memref<1x80x128xf32, #tpu.memory_space<hbm>> -> memref<80x128xf32, #tpu.memory_space<hbm>>
    tpu.enqueue_dma source(%arg10 : memref<80x128xf32, #tpu.memory_space<vmem>>) target(%dma_start3A_148 : memref<80x128xf32, #tpu.memory_space<hbm>>) target_semaphore(%arg13 : memref<!tpu.dma_semaphore, #tpu.memory_space<semaphore_mem>>)
    %mul3A_149 = arith.constant 640 : i32
    %mul3A_150 = arith.muli %arg1, %mul3A_149 : i32
    %add3A_151 = arith.constant 560 : i32
    %add3A_152 = arith.addi %mul3A_150, %add3A_151 : i32
    tpu.wait_dma2 semaphore(%arg14 : memref<!tpu.dma_semaphore, #tpu.memory_space<semaphore_mem>>) src(%arg5 : memref<80x128xf32, #tpu.memory_space<hbm>>) dst(%arg11 : memref<80x128xf32, #tpu.memory_space<vmem>>)
    "tpu.region"() ({
      %run_scoped3A = tpu.sem_alloc : memref<!tpu.dma_semaphore, #tpu.memory_space<semaphore_mem>>
      %dma_start3A_159 = arith.constant 0 : i32
      %dma_start3A_160 = tpu.memref_slice %arg12[%add3A_152, %dma_start3A_159] : memref<10240x128xf32, #tpu.memory_space<vmem_shared>> -> memref<80x128xf32, #tpu.memory_space<vmem_shared>>
      %dma_start3A_161 = arith.constant 0 : i32
      %dma_start3A_162 = tpu.memref_slice %arg12[%add3A_152, %dma_start3A_161] : memref<10240x128xf32, #tpu.memory_space<vmem_shared>> -> memref<80x128xf32, #tpu.memory_space<vmem_shared>>
      tpu.enqueue_dma source(%dma_start3A_162 : memref<80x128xf32, #tpu.memory_space<vmem_shared>>) target(%arg11 : memref<80x128xf32, #tpu.memory_space<vmem>>) target_semaphore(%run_scoped3A : memref<!tpu.dma_semaphore, #tpu.memory_space<semaphore_mem>>)
      %dma_wait3A = arith.constant 0 : i32
      %dma_wait3A_163 = tpu.memref_slice %arg12[%add3A_152, %dma_wait3A] : memref<10240x128xf32, #tpu.memory_space<vmem_shared>> -> memref<80x128xf32, #tpu.memory_space<vmem_shared>>
      %dma_wait3A_164 = arith.constant 0 : i32
      %dma_wait3A_165 = tpu.memref_slice %arg12[%add3A_152, %dma_wait3A_164] : memref<10240x128xf32, #tpu.memory_space<vmem_shared>> -> memref<80x128xf32, #tpu.memory_space<vmem_shared>>
      tpu.wait_dma2 semaphore(%run_scoped3A : memref<!tpu.dma_semaphore, #tpu.memory_space<semaphore_mem>>) src(%dma_wait3A_165 : memref<80x128xf32, #tpu.memory_space<vmem_shared>>) dst(%arg11 : memref<80x128xf32, #tpu.memory_space<vmem>>)
      tpu.yield
    }) : () -> ()
    %dma_start3A_153 = arith.constant 0 : i32
    %dma_start3A_154 = tpu.memref_slice %arg6[%arg0, %add3A_152, %dma_start3A_153] : memref<2x10240x128xf32, #tpu.memory_space<hbm>> -> memref<1x80x128xf32, #tpu.memory_space<hbm>>
    %dma_start3A_155 = tpu.memref_squeeze %dma_start3A_154 : memref<1x80x128xf32, #tpu.memory_space<hbm>> -> memref<80x128xf32, #tpu.memory_space<hbm>>
    %dma_start3A_156 = arith.constant 0 : i32
    %dma_start3A_157 = tpu.memref_slice %arg6[%arg0, %add3A_152, %dma_start3A_156] : memref<2x10240x128xf32, #tpu.memory_space<hbm>> -> memref<1x80x128xf32, #tpu.memory_space<hbm>>
    %dma_start3A_158 = tpu.memref_squeeze %dma_start3A_157 : memref<1x80x128xf32, #tpu.memory_space<hbm>> -> memref<80x128xf32, #tpu.memory_space<hbm>>
    tpu.enqueue_dma source(%arg11 : memref<80x128xf32, #tpu.memory_space<vmem>>) target(%dma_start3A_158 : memref<80x128xf32, #tpu.memory_space<hbm>>) target_semaphore(%arg14 : memref<!tpu.dma_semaphore, #tpu.memory_space<semaphore_mem>>)
    tpu.wait_dma2 semaphore(%arg13 : memref<!tpu.dma_semaphore, #tpu.memory_space<semaphore_mem>>) src(%arg5 : memref<80x128xf32, #tpu.memory_space<hbm>>) dst(%arg10 : memref<80x128xf32, #tpu.memory_space<vmem>>)
    tpu.wait_dma2 semaphore(%arg14 : memref<!tpu.dma_semaphore, #tpu.memory_space<semaphore_mem>>) src(%arg5 : memref<80x128xf32, #tpu.memory_space<hbm>>) dst(%arg11 : memref<80x128xf32, #tpu.memory_space<vmem>>)
    "tpu.region"() ({
      %run_scoped3A = tpu.sem_alloc : memref<!tpu.dma_semaphore, #tpu.memory_space<semaphore_mem>>
      %dma_start3A_159 = arith.constant 0 : i32
      %dma_start3A_160 = arith.constant 0 : i32
      %dma_start3A_161 = tpu.memref_slice %arg7[%add3A, %dma_start3A_159, %dma_start3A_160] : memref<32x1x10000xf32, #tpu.memory_space<hbm>> -> memref<1x1x10000xf32, #tpu.memory_space<hbm>>
      %dma_start3A_162 = tpu.memref_squeeze %dma_start3A_161 : memref<1x1x10000xf32, #tpu.memory_space<hbm>> -> memref<1x10000xf32, #tpu.memory_space<hbm>>
      %dma_start3A_163 = arith.constant 0 : i32
      %dma_start3A_164 = arith.constant 0 : i32
      %dma_start3A_165 = tpu.memref_slice %arg7[%add3A, %dma_start3A_163, %dma_start3A_164] : memref<32x1x10000xf32, #tpu.memory_space<hbm>> -> memref<1x1x10000xf32, #tpu.memory_space<hbm>>
      %dma_start3A_166 = tpu.memref_squeeze %dma_start3A_165 : memref<1x1x10000xf32, #tpu.memory_space<hbm>> -> memref<1x10000xf32, #tpu.memory_space<hbm>>
      tpu.enqueue_dma source(%arg15 : memref<1x10000xf32, #tpu.memory_space<vmem>>) target(%dma_start3A_166 : memref<1x10000xf32, #tpu.memory_space<hbm>>) target_semaphore(%run_scoped3A : memref<!tpu.dma_semaphore, #tpu.memory_space<semaphore_mem>>)
      %dma_wait3A = arith.constant 0 : i32
      %dma_wait3A_167 = arith.constant 0 : i32
      %dma_wait3A_168 = tpu.memref_slice %arg7[%add3A, %dma_wait3A, %dma_wait3A_167] : memref<32x1x10000xf32, #tpu.memory_space<hbm>> -> memref<1x1x10000xf32, #tpu.memory_space<hbm>>
      %dma_wait3A_169 = tpu.memref_squeeze %dma_wait3A_168 : memref<1x1x10000xf32, #tpu.memory_space<hbm>> -> memref<1x10000xf32, #tpu.memory_space<hbm>>
      %dma_wait3A_170 = arith.constant 0 : i32
      %dma_wait3A_171 = arith.constant 0 : i32
      %dma_wait3A_172 = tpu.memref_slice %arg7[%add3A, %dma_wait3A_170, %dma_wait3A_171] : memref<32x1x10000xf32, #tpu.memory_space<hbm>> -> memref<1x1x10000xf32, #tpu.memory_space<hbm>>
      %dma_wait3A_173 = tpu.memref_squeeze %dma_wait3A_172 : memref<1x1x10000xf32, #tpu.memory_space<hbm>> -> memref<1x10000xf32, #tpu.memory_space<hbm>>
      tpu.wait_dma2 semaphore(%run_scoped3A : memref<!tpu.dma_semaphore, #tpu.memory_space<semaphore_mem>>) src(%arg15 : memref<1x10000xf32, #tpu.memory_space<vmem>>) dst(%dma_wait3A_173 : memref<1x10000xf32, #tpu.memory_space<hbm>>)
      tpu.yield
    }) : () -> ()
    return
  }
}

module attributes {stable_mosaic.version = 14 : i64} {
  func.func @_tc_body(%arg0: i32, %arg1: memref<2x1000x128xf32, #tpu.memory_space<vmem>>, %arg2: memref<1000x32xf32, #tpu.memory_space<vmem>>, %arg3: memref<1000x128xf32, #tpu.memory_space<vmem>>, %arg4: memref<128x128xf32, #tpu.memory_space<vmem>>, %arg5: memref<1x128xf32, #tpu.memory_space<vmem>>, %arg6: memref<128x128xf32, #tpu.memory_space<vmem>>, %arg7: memref<1000x128xf32, #tpu.memory_space<vmem>>) attributes {dimension_semantics = [#tpu.dimension_semantics<arbitrary>], iteration_bounds = array<i64: 10>, scalar_prefetch = 0 : i64, scratch_operands = 0 : i64, tpu.core_type = #tpu.core_type<tc>, window_params = [{transform_indices = @transform_0, window_bounds = array<i64: 2, 1000, 128>}, {transform_indices = @transform_1, window_bounds = array<i64: 1000, 32>}, {transform_indices = @transform_2, window_bounds = array<i64: 1000, 128>}, {pipeline_mode = #tpu.pipeline_mode<synchronous>, transform_indices = @transform_3, window_bounds = array<i64: 128, 128>}, {pipeline_mode = #tpu.pipeline_mode<synchronous>, transform_indices = @transform_4, window_bounds = array<i64: 1, 128>}, {pipeline_mode = #tpu.pipeline_mode<synchronous>, transform_indices = @transform_5, window_bounds = array<i64: 128, 128>}, {transform_indices = @transform_6, window_bounds = array<i64: 1000, 128>}]} {
    %get3A = arith.constant 0 : index
    %get3A_0 = arith.constant 0 : index
    %get3A_1 = arith.constant 0 : index
    %get3A_2 = vector.load %arg1[%get3A, %get3A_0, %get3A_1] : memref<2x1000x128xf32, #tpu.memory_space<vmem>>, vector<1x1000x128xf32>
    %get3A_3 = vector.shape_cast %get3A_2 : vector<1x1000x128xf32> to vector<1000x128xf32>
    %get3A_4 = arith.constant 1 : index
    %get3A_5 = arith.constant 0 : index
    %get3A_6 = arith.constant 0 : index
    %get3A_7 = vector.load %arg1[%get3A_4, %get3A_5, %get3A_6] : memref<2x1000x128xf32, #tpu.memory_space<vmem>>, vector<1x1000x128xf32>
    %get3A_8 = vector.shape_cast %get3A_7 : vector<1x1000x128xf32> to vector<1000x128xf32>
    %add3A = arith.addf %get3A_3, %get3A_8 : vector<1000x128xf32>
    %get3A_9 = arith.constant 0 : index
    %get3A_10 = arith.constant 0 : index
    %get3A_11 = vector.load %arg2[%get3A_9, %get3A_10] : memref<1000x32xf32, #tpu.memory_space<vmem>>, vector<1000x32xf32>
    %reduce_sum3A = arith.constant dense<0.000000e+00> : vector<1000xf32>
    %reduce_sum3A_12 = vector.multi_reduction <add>, %get3A_11, %reduce_sum3A [1] : vector<1000x32xf32> to vector<1000xf32>
    %broadcast_in_dim3A = vector.shape_cast %reduce_sum3A_12 : vector<1000xf32> to vector<1000x1xf32>
    %max3A = arith.constant 1.000000e+00 : f32
    %max3A_13 = vector.broadcast %max3A : f32 to vector<1000x1xf32>
    %max3A_14 = arith.maximumf %broadcast_in_dim3A, %max3A_13 : vector<1000x1xf32>
    %div3A = arith.constant 1.000000e+00 : f32
    %div3A_15 = vector.broadcast %div3A : f32 to vector<1000x1xf32>
    %div3A_16 = arith.divf %div3A_15, %max3A_14 : vector<1000x1xf32>
    %mul3A = vector.broadcast %div3A_16 : vector<1000x1xf32> to vector<1000x128xf32>
    %mul3A_17 = arith.mulf %add3A, %mul3A : vector<1000x128xf32>
    %get3A_18 = arith.constant 0 : index
    %get3A_19 = arith.constant 0 : index
    %get3A_20 = vector.load %arg4[%get3A_18, %get3A_19] : memref<128x128xf32, #tpu.memory_space<vmem>>, vector<128x128xf32>
    %dot_general3A = arith.constant dense<0.000000e+00> : vector<1000x128xf32>
    %dot_general3A_21 = tpu.matmul %mul3A_17, %get3A_20, %dot_general3A {dimension_numbers = #tpu.dot_dimension_numbers<[1], [1], [0], [0], [0, 0, 1, 0], [], []>, transpose_lhs_hint = false} : vector<1000x128xf32>, vector<128x128xf32>, vector<1000x128xf32> -> vector<1000x128xf32>
    %get3A_22 = arith.constant 0 : index
    %get3A_23 = arith.constant 0 : index
    %get3A_24 = vector.load %arg3[%get3A_22, %get3A_23] : memref<1000x128xf32, #tpu.memory_space<vmem>>, vector<1000x128xf32>
    %get3A_25 = arith.constant 0 : index
    %get3A_26 = arith.constant 0 : index
    %get3A_27 = vector.load %arg6[%get3A_25, %get3A_26] : memref<128x128xf32, #tpu.memory_space<vmem>>, vector<128x128xf32>
    %dot_general3A_28 = arith.constant dense<0.000000e+00> : vector<1000x128xf32>
    %dot_general3A_29 = tpu.matmul %get3A_24, %get3A_27, %dot_general3A_28 {dimension_numbers = #tpu.dot_dimension_numbers<[1], [1], [0], [0], [0, 0, 1, 0], [], []>, transpose_lhs_hint = false} : vector<1000x128xf32>, vector<128x128xf32>, vector<1000x128xf32> -> vector<1000x128xf32>
    %add3A_30 = arith.addf %dot_general3A_21, %dot_general3A_29 : vector<1000x128xf32>
    %get3A_31 = arith.constant 0 : index
    %get3A_32 = arith.constant 0 : index
    %get3A_33 = vector.load %arg5[%get3A_31, %get3A_32] : memref<1x128xf32, #tpu.memory_space<vmem>>, vector<1x128xf32>
    %add3A_34 = vector.broadcast %get3A_33 : vector<1x128xf32> to vector<1000x128xf32>
    %add3A_35 = arith.addf %add3A_30, %add3A_34 : vector<1000x128xf32>
    %gt3A = arith.constant 0.000000e+00 : f32
    %gt3A_36 = vector.broadcast %gt3A : f32 to vector<1000x128xf32>
    %gt3A_37 = arith.cmpf ogt, %add3A_35, %gt3A_36 : vector<1000x128xf32>
    %exp3A = math.exp %add3A_35 : vector<1000x128xf32>
    %sub3A = arith.constant 1.000000e+00 : f32
    %sub3A_38 = vector.broadcast %sub3A : f32 to vector<1000x128xf32>
    %sub3A_39 = arith.subf %exp3A, %sub3A_38 : vector<1000x128xf32>
    %select_n3A = arith.select %gt3A_37, %add3A_35, %sub3A_39 : vector<1000x128xi1>, vector<1000x128xf32>
    %swap3A = arith.constant 0 : index
    %swap3A_40 = arith.constant 0 : index
    %swap3A_41 = vector.load %arg7[%swap3A, %swap3A_40] : memref<1000x128xf32, #tpu.memory_space<vmem>>, vector<1000x128xf32>
    tpu.vector_store %arg7[%swap3A, %swap3A_40], %select_n3A {strides = array<i32>} : memref<1000x128xf32, #tpu.memory_space<vmem>>, vector<1000x128xf32>,
    return
  }
  func.func @transform_0(%arg0: i32) -> (i32, i32, i32) {
    %c0_i32 = arith.constant 0 : i32
    %c0_i32_0 = arith.constant 0 : i32
    %c0_i32_1 = arith.constant 0 : i32
    return %c0_i32, %arg0, %c0_i32_0 : i32, i32, i32
  }
  func.func @transform_1(%arg0: i32) -> (i32, i32) {
    %c0_i32 = arith.constant 0 : i32
    %c0_i32_0 = arith.constant 0 : i32
    return %arg0, %c0_i32 : i32, i32
  }
  func.func @transform_2(%arg0: i32) -> (i32, i32) {
    %c0_i32 = arith.constant 0 : i32
    %c0_i32_0 = arith.constant 0 : i32
    return %arg0, %c0_i32 : i32, i32
  }
  func.func @transform_3(%arg0: i32) -> (i32, i32) {
    %c0_i32 = arith.constant 0 : i32
    %c0_i32_0 = arith.constant 0 : i32
    %c0_i32_1 = arith.constant 0 : i32
    return %c0_i32, %c0_i32_0 : i32, i32
  }
  func.func @transform_4(%arg0: i32) -> (i32, i32) {
    %c0_i32 = arith.constant 0 : i32
    %c0_i32_0 = arith.constant 0 : i32
    %c0_i32_1 = arith.constant 0 : i32
    return %c0_i32, %c0_i32_0 : i32, i32
  }
  func.func @transform_5(%arg0: i32) -> (i32, i32) {
    %c0_i32 = arith.constant 0 : i32
    %c0_i32_0 = arith.constant 0 : i32
    %c0_i32_1 = arith.constant 0 : i32
    return %c0_i32, %c0_i32_0 : i32, i32
  }
  func.func @transform_6(%arg0: i32) -> (i32, i32) {
    %c0_i32 = arith.constant 0 : i32
    %c0_i32_0 = arith.constant 0 : i32
    return %arg0, %c0_i32 : i32, i32
  }
}

module attributes {stable_mosaic.version = 14 : i64} {
  func.func @_tc_body(%arg0: i32, %arg1: memref<2x1000x128xf32, #tpu.memory_space<vmem>>, %arg2: memref<1000x32xf32, #tpu.memory_space<vmem>>, %arg3: memref<1000x128xf32, #tpu.memory_space<vmem>>, %arg4: memref<128x128xf32, #tpu.memory_space<vmem>>, %arg5: memref<1x128xf32, #tpu.memory_space<vmem>>, %arg6: memref<128x128xf32, #tpu.memory_space<vmem>>, %arg7: memref<1000x128xf32, #tpu.memory_space<vmem>>) attributes {dimension_semantics = [#tpu.dimension_semantics<arbitrary>], iteration_bounds = array<i64: 10>, scalar_prefetch = 0 : i64, scratch_operands = 0 : i64, tpu.core_type = #tpu.core_type<tc>, window_params = [{transform_indices = @transform_0, window_bounds = array<i64: 2, 1000, 128>}, {transform_indices = @transform_1, window_bounds = array<i64: 1000, 32>}, {transform_indices = @transform_2, window_bounds = array<i64: 1000, 128>}, {pipeline_mode = #tpu.pipeline_mode<synchronous>, transform_indices = @transform_3, window_bounds = array<i64: 128, 128>}, {pipeline_mode = #tpu.pipeline_mode<synchronous>, transform_indices = @transform_4, window_bounds = array<i64: 1, 128>}, {pipeline_mode = #tpu.pipeline_mode<synchronous>, transform_indices = @transform_5, window_bounds = array<i64: 128, 128>}, {transform_indices = @transform_6, window_bounds = array<i64: 1000, 128>}]} {
    %get3A = arith.constant 0 : index
    %get3A_0 = arith.constant 0 : index
    %get3A_1 = arith.constant 0 : index
    %get3A_2 = vector.load %arg1[%get3A, %get3A_0, %get3A_1] : memref<2x1000x128xf32, #tpu.memory_space<vmem>>, vector<1x1000x128xf32>
    %get3A_3 = vector.shape_cast %get3A_2 : vector<1x1000x128xf32> to vector<1000x128xf32>
    %get3A_4 = arith.constant 1 : index
    %get3A_5 = arith.constant 0 : index
    %get3A_6 = arith.constant 0 : index
    %get3A_7 = vector.load %arg1[%get3A_4, %get3A_5, %get3A_6] : memref<2x1000x128xf32, #tpu.memory_space<vmem>>, vector<1x1000x128xf32>
    %get3A_8 = vector.shape_cast %get3A_7 : vector<1x1000x128xf32> to vector<1000x128xf32>
    %add3A = arith.addf %get3A_3, %get3A_8 : vector<1000x128xf32>
    %get3A_9 = arith.constant 0 : index
    %get3A_10 = arith.constant 0 : index
    %get3A_11 = vector.load %arg2[%get3A_9, %get3A_10] : memref<1000x32xf32, #tpu.memory_space<vmem>>, vector<1000x32xf32>
    %reduce_sum3A = arith.constant dense<0.000000e+00> : vector<1000xf32>
    %reduce_sum3A_12 = vector.multi_reduction <add>, %get3A_11, %reduce_sum3A [1] : vector<1000x32xf32> to vector<1000xf32>
    %broadcast_in_dim3A = vector.shape_cast %reduce_sum3A_12 : vector<1000xf32> to vector<1000x1xf32>
    %max3A = arith.constant 1.000000e+00 : f32
    %max3A_13 = vector.broadcast %max3A : f32 to vector<1000x1xf32>
    %max3A_14 = arith.maximumf %broadcast_in_dim3A, %max3A_13 : vector<1000x1xf32>
    %div3A = arith.constant 1.000000e+00 : f32
    %div3A_15 = vector.broadcast %div3A : f32 to vector<1000x1xf32>
    %div3A_16 = arith.divf %div3A_15, %max3A_14 : vector<1000x1xf32>
    %mul3A = vector.broadcast %div3A_16 : vector<1000x1xf32> to vector<1000x128xf32>
    %mul3A_17 = arith.mulf %add3A, %mul3A : vector<1000x128xf32>
    %get3A_18 = arith.constant 0 : index
    %get3A_19 = arith.constant 0 : index
    %get3A_20 = vector.load %arg4[%get3A_18, %get3A_19] : memref<128x128xf32, #tpu.memory_space<vmem>>, vector<128x128xf32>
    %dot_general3A = arith.constant dense<0.000000e+00> : vector<1000x128xf32>
    %dot_general3A_21 = tpu.matmul %mul3A_17, %get3A_20, %dot_general3A {dimension_numbers = #tpu.dot_dimension_numbers<[1], [1], [0], [0], [0, 0, 1, 0], [], []>, transpose_lhs_hint = false} : vector<1000x128xf32>, vector<128x128xf32>, vector<1000x128xf32> -> vector<1000x128xf32>
    %get3A_22 = arith.constant 0 : index
    %get3A_23 = arith.constant 0 : index
    %get3A_24 = vector.load %arg3[%get3A_22, %get3A_23] : memref<1000x128xf32, #tpu.memory_space<vmem>>, vector<1000x128xf32>
    %get3A_25 = arith.constant 0 : index
    %get3A_26 = arith.constant 0 : index
    %get3A_27 = vector.load %arg6[%get3A_25, %get3A_26] : memref<128x128xf32, #tpu.memory_space<vmem>>, vector<128x128xf32>
    %dot_general3A_28 = arith.constant dense<0.000000e+00> : vector<1000x128xf32>
    %dot_general3A_29 = tpu.matmul %get3A_24, %get3A_27, %dot_general3A_28 {dimension_numbers = #tpu.dot_dimension_numbers<[1], [1], [0], [0], [0, 0, 1, 0], [], []>, transpose_lhs_hint = false} : vector<1000x128xf32>, vector<128x128xf32>, vector<1000x128xf32> -> vector<1000x128xf32>
    %add3A_30 = arith.addf %dot_general3A_21, %dot_general3A_29 : vector<1000x128xf32>
    %get3A_31 = arith.constant 0 : index
    %get3A_32 = arith.constant 0 : index
    %get3A_33 = vector.load %arg5[%get3A_31, %get3A_32] : memref<1x128xf32, #tpu.memory_space<vmem>>, vector<1x128xf32>
    %add3A_34 = vector.broadcast %get3A_33 : vector<1x128xf32> to vector<1000x128xf32>
    %add3A_35 = arith.addf %add3A_30, %add3A_34 : vector<1000x128xf32>
    %gt3A = arith.constant 0.000000e+00 : f32
    %gt3A_36 = vector.broadcast %gt3A : f32 to vector<1000x128xf32>
    %gt3A_37 = arith.cmpf ogt, %add3A_35, %gt3A_36 : vector<1000x128xf32>
    %exp3A = math.exp %add3A_35 : vector<1000x128xf32>
    %sub3A = arith.constant 1.000000e+00 : f32
    %sub3A_38 = vector.broadcast %sub3A : f32 to vector<1000x128xf32>
    %sub3A_39 = arith.subf %exp3A, %sub3A_38 : vector<1000x128xf32>
    %select_n3A = arith.select %gt3A_37, %add3A_35, %sub3A_39 : vector<1000x128xi1>, vector<1000x128xf32>
    %swap3A = arith.constant 0 : index
    %swap3A_40 = arith.constant 0 : index
    %swap3A_41 = vector.load %arg7[%swap3A, %swap3A_40] : memref<1000x128xf32, #tpu.memory_space<vmem>>, vector<1000x128xf32>
    tpu.vector_store %arg7[%swap3A, %swap3A_40], %select_n3A {strides = array<i32>} : memref<1000x128xf32, #tpu.memory_space<vmem>>, vector<1000x128xf32>,
    return
  }
  func.func @transform_0(%arg0: i32) -> (i32, i32, i32) {
    %c0_i32 = arith.constant 0 : i32
    %c0_i32_0 = arith.constant 0 : i32
    %c0_i32_1 = arith.constant 0 : i32
    return %c0_i32, %arg0, %c0_i32_0 : i32, i32, i32
  }
  func.func @transform_1(%arg0: i32) -> (i32, i32) {
    %c0_i32 = arith.constant 0 : i32
    %c0_i32_0 = arith.constant 0 : i32
    return %arg0, %c0_i32 : i32, i32
  }
  func.func @transform_2(%arg0: i32) -> (i32, i32) {
    %c0_i32 = arith.constant 0 : i32
    %c0_i32_0 = arith.constant 0 : i32
    return %arg0, %c0_i32 : i32, i32
  }
  func.func @transform_3(%arg0: i32) -> (i32, i32) {
    %c0_i32 = arith.constant 0 : i32
    %c0_i32_0 = arith.constant 0 : i32
    %c0_i32_1 = arith.constant 0 : i32
    return %c0_i32, %c0_i32_0 : i32, i32
  }
  func.func @transform_4(%arg0: i32) -> (i32, i32) {
    %c0_i32 = arith.constant 0 : i32
    %c0_i32_0 = arith.constant 0 : i32
    %c0_i32_1 = arith.constant 0 : i32
    return %c0_i32, %c0_i32_0 : i32, i32
  }
  func.func @transform_5(%arg0: i32) -> (i32, i32) {
    %c0_i32 = arith.constant 0 : i32
    %c0_i32_0 = arith.constant 0 : i32
    %c0_i32_1 = arith.constant 0 : i32
    return %c0_i32, %c0_i32_0 : i32, i32
  }
  func.func @transform_6(%arg0: i32) -> (i32, i32) {
    %c0_i32 = arith.constant 0 : i32
    %c0_i32_0 = arith.constant 0 : i32
    return %arg0, %c0_i32 : i32, i32
  }
}

</mosaic_0001>

<sc_bundles>
// kernel: kernel.6.cloned.1.call-start
scs
__scs_entry_jumppad:
0x0: {  	(pc) =	sbr.rel $0x88, $3  }
0x1: {  	(tag) =	ssettag $0x0;
	lr =	simm.s32 $0x1  }
0x2: {  	[smem:$0x3F99] =	sst lr;
	_ =	strace $0xD0000000  }
0x3: {  	_ = 	snop  }
0x4: {  	_ = 	snop  }
0x5: {  	_ = 	snop  }
0x6: {  	_ = 	snop  }
0x7: {  	_ = 	snop  }
__scs_overlays_trampoline_lowered:
0x8: {  	[smem:$0x3FA8] =	sst s0  }
0x9: {  	[smem:$0x3FA9] =	sst s1  }
0xa: {  	[smem:$0x3FAA] =	sst s2  }
0xb: {  	[smem:$0x3FAB] =	sst s3  }
0xc: {  	[smem:$0x3FAC] =	sst s4  }
0xd: {  	[smem:$0x3FAD] =	sst s5  }
0xe: {  	[smem:$0x3FAE] =	sst s6  }
0xf: {  	[smem:$0x3FAF] =	sst s7  }
0x10: {  	[smem:$0x3FB0] =	sst s8  }
0x11: {  	[smem:$0x3FB1] =	sst s9;
	s0 =	simm.s32 @!p0 $0x0  }
0x12: {  	s1 =	sld [smem:$0x3F97];
	s0 =	simm.s32 @p0 $0x1  }
0x13: {  	[smem:$0x3FB2] =	sst s0;
	s0 =	simm.s32 @!p1 $0x0  }
0x14: {  	s2 =	sld [smem:$0x3F96];
	s0 =	simm.s32 @p1 $0x1  }
0x15: {  	[smem:$0x3FB3] =	sst s0;
	s0 =	simm.s32 @!p2 $0x0  }
0x16: {  	s3 =	sld [smem:$0x3FDB];
	s0 =	simm.s32 @p2 $0x1  }
0x17: {  	s4 =	simm.s32 $0x1BF5;
	[smem:$0x3FB5] =	sst s0  }
0x18: {  	s0 =	sld [smem:$0x3F98];
	_ =	swait.ge [sflag:s4], $0x0  }
0x19: {  	s7 =	sld [smem:$0x3F99]  }
0x1a: {  	s8 =	sadd.s32 $0xFFFFE003, lr  }
0x1b: {  	s9 =	sadd.s32 $0xFFFFFEF7, lr;
	s5 =	simm.s32 $0xFFFFFFFF;
	p2 =	slt.u32 s8, $0xFFFFF086  }
0x1c: {  	p1 =	slt.u32 s9, $0xF7A;
	s5 =	simm.s32 @!p2 $0x0  }
0x1d: {  	s5 =	simm.s32 @p1 $0x1;
	p0 =	seq.s32 s7, s2  }
0x1e: {  	s7 =	smul.u32 @!p0 $0xF7A, s2;
	p2 =	seq.s32 @!p0 s5, $0x0  }
0x1f: {  	s9 =	smul.u32 $0xF7A, s1;
	s8 =	simm.s32 @!p0 $0x1BF5;
	p2 =	por !p2, p0  }
0x20: {  	[sflag:s8] =	ssyncset.s32 @!p0 $0xFFFFF086;
	s6 =	sadd.s32 @!p0 s3, s7;
	s7 =	simm.s32 @!p0 $0x108  }
0x21: {  	s3 =	sadd.s32 s3, s9;
	s6 =	sadd.s32 @!p0 $0x88, s6;
	s7 =	simm.s32 @p2 $0x1082  }
0x22: {  	[simem:s7], [sflag:s8] =	dma.local @!p0 [hbm:s6], $0xF7A  }
0x23: {  	s9 =	sor.u32 $0xD0000000, s2;
	s6 =	simm.s32 $0x108;
	_ =	swait.ge @!p0 [sflag:s8], $0x0  }
0x24: {  	s3 =	sadd.s32 $0x88, s3;
	s6 =	simm.s32 @!p1 $0x1082;
	[sflag:s4] =	ssyncset.s32 $0xFFFFF086  }
0x25: {  	[simem:s6], [sflag:s4] =	dma.local [hbm:s3], $0xF7A  }
0x26: {  	[smem:$0x3F99] =	sst s1;
	(tag) =	ssettag s2;
	_ =	strace s9  }
0x27: {  	s1 =	sld [smem:$0x3FA9]  }
0x28: {  	s2 =	sld [smem:$0x3FAA]  }
0x29: {  	s4 =	sld [smem:$0x3FAC]  }
0x2a: {  	p0 =	seq.s32 s5, $0x0;
	s5 =	sld [smem:$0x3FAD]  }
0x2b: {  	s6 =	sld [smem:$0x3FAE]  }
0x2c: {  	s7 =	sld [smem:$0x3FAF]  }
0x2d: {  	s3 =	simm.s32 $0x108;
	s8 =	sld [smem:$0x3FB0]  }
0x2e: {  	s3 =	simm.s32 @!p0 $0x1082;
	s9 =	sld [smem:$0x3FB1]  }
0x2f: {  	lr =	sadd.s32 s0, s3;
	s0 =	sld [smem:$0x3FA8]  }
0x30: {  	s3 =	sld [smem:$0x3FAB]  }
0x31: {  	[smem:$0x3FB4] =	sst s10  }
0x32: {  	s10 =	sld [smem:$0x3FB2];
	_ =	sdelay $0x3  }
0x33: {  	p0 =	seq.s32 s10, $0x1;
	s10 =	sld [smem:$0x3FB4];
	_ =	sdelay $0x3  }
0x34: {  	[smem:$0x3FB4] =	sst s10  }
0x35: {  	s10 =	sld [smem:$0x3FB3];
	_ =	sdelay $0x3  }
0x36: {  	p1 =	seq.s32 s10, $0x1;
	s10 =	sld [smem:$0x3FB4];
	_ =	sdelay $0x3  }
0x37: {  	[smem:$0x3FB4] =	sst s10  }
0x38: {  	s10 =	sld [smem:$0x3FB5]  }
0x39: {  	_ = 	snop;
	(pc) =	sbr.ind lr, $3  }
0x3a: {  	_ = 	snop  }
0x3b: {  	_ = 	snop  }
0x3c: {  	p2 =	seq.s32 s10, $0x1;
	s10 =	sld [smem:$0x3FB4]  }
0x3d: {  	_ =	shalt  }
0x3e: {  	_ =	shalt  }
0x3f: {  	_ =	shalt  }
0x40: {  	_ =	shalt  }
0x41: {  	_ =	shalt  }
0x42: {  	_ =	shalt  }
0x43: {  	_ =	shalt  }
0x44: {  	_ =	shalt  }
0x45: {  	_ =	shalt  }
0x46: {  	_ =	shalt  }
0x47: {  	_ =	shalt  }
0x48: {  	_ =	shalt  }
0x49: {  	_ =	shalt  }
0x4a: {  	_ =	shalt  }
0x4b: {  	_ =	shalt  }
0x4c: {  	_ =	shalt  }
0x4d: {  	_ =	shalt  }
0x4e: {  	_ =	shalt  }
0x4f: {  	_ =	shalt  }
0x50: {  	_ =	shalt  }
0x51: {  	_ =	shalt  }
0x52: {  	_ =	shalt  }
0x53: {  	_ =	shalt  }
0x54: {  	_ =	shalt  }
0x55: {  	_ =	shalt  }
0x56: {  	_ =	shalt  }
0x57: {  	_ =	shalt  }
0x58: {  	_ =	shalt  }
0x59: {  	_ =	shalt  }
0x5a: {  	_ =	shalt  }
0x5b: {  	_ =	shalt  }
0x5c: {  	_ =	shalt  }
0x5d: {  	_ =	shalt  }
0x5e: {  	_ =	shalt  }
0x5f: {  	_ =	shalt  }
0x60: {  	_ =	shalt  }
0x61: {  	_ =	shalt  }
0x62: {  	_ =	shalt  }
0x63: {  	_ =	shalt  }
0x64: {  	_ =	shalt  }
0x65: {  	_ =	shalt  }
0x66: {  	_ =	shalt  }
0x67: {  	_ =	shalt  }
0x68: {  	_ =	shalt  }
0x69: {  	_ =	shalt  }
0x6a: {  	_ =	shalt  }
0x6b: {  	_ =	shalt  }
0x6c: {  	_ =	shalt  }
0x6d: {  	_ =	shalt  }
0x6e: {  	_ =	shalt  }
0x6f: {  	_ =	shalt  }
0x70: {  	_ =	shalt  }
0x71: {  	_ =	shalt  }
0x72: {  	_ =	shalt  }
0x73: {  	_ =	shalt  }
0x74: {  	_ =	shalt  }
0x75: {  	_ =	shalt  }
0x76: {  	_ =	shalt  }
0x77: {  	_ =	shalt  }
0x78: {  	_ =	shalt  }
0x79: {  	_ =	shalt  }
0x7a: {  	_ =	shalt  }
0x7b: {  	_ =	shalt  }
0x7c: {  	_ =	shalt  }
0x7d: {  	_ =	shalt  }
0x7e: {  	_ =	shalt  }
0x7f: {  	_ =	shalt  }
0x80: {  	_ =	shalt  }
0x81: {  	_ =	shalt  }
0x82: {  	_ =	shalt  }
0x83: {  	_ =	shalt  }
0x84: {  	_ =	shalt  }
0x85: {  	_ =	shalt  }
0x86: {  	_ =	shalt  }
0x87: {  	_ =	shalt  }
.Lfunc_end0:
.L_simem_size_0:
called_computation_lowered:
.L_overlay_start_0:
0x88: {  	s2 =	sld [smem:$0x3FD9]  }
0x89: {  	s3 =	sld [smem:$0x3FFE];
	_ =	sdelay $0x1  }
0x8a: {  	s1 =	srdreg.scid  }
0x8b: {  	s0 =	sand.u32 $0x1, s1  }
0x8c: {  	s17 =	sshll.u32 s0, $0xA;
	s2 =	sadd.s32 s3, s2  }
0x8d: {  	s2 =	sadd.s32 s2, s17  }
0x8e: {  	[smem:$0x3FC0] =	sst s2  }
0x8f: {  	_ = 	snop  }
0x90: {  	s2 =	sld [smem:$0x3FC9]  }
0x91: {  	s18 =	sld [smem:$0x3FD0];
	(tm) =	ssettm $0x1  }
0x92: {  	s4 =	sld [smem:$0x3FFB];
	_ =	sdelay $0x3  }
0x93: {  	_ =	strace s4  }
0x94: {  	s4 =	sld [smem:$0x3FFC];
	_ =	sdelay $0x3  }
0x95: {  	_ =	strace s4  }
0x96: {  	s4 =	sld [smem:$0x3FFD];
	_ =	sdelay $0x3  }
0x97: {  	_ =	strace s4  }
0x98: {  	_ =	strace $0x8FFFFFFF  }
0x99: {  	s19 =	sld [smem:$0x3FDB];
	_ =	sdelay $0x1  }
0x9a: {  	s5 =	simm.s32 $_scs_section_size  }
0x9b: {  	s6 =	simm.s32 $_size__tile_overlayer_lowered;
	s7 =	simm.s32 $_tile_overlayer_lowered  }
0x9c: {  	s22 =	simm.s32 $0x1BFF;
	s21 =	sshll.u32 s7, $0x1;
	s4 =	sadd.s32 s5, s19  }
0x9d: {  	s8 =	simm.s32 $0x0;
	s20 =	sshll.u32 s6, $0x1;
	s6 =	sadd.s32 s21, s4  }
0x9e: {  	[timem:s8], [sflag:s22] =	dma.local [hbm:s6], s20  }
0x9f: {  	_ =	swait.ge [sflag:s22], s20  }
0xa0: {  	s5 =	ssub.s32 $0x0, s20;
	[sflag:s22] =	ssyncset.done $0x0  }
0xa1: {  	[sflag:s22] =	ssyncadd.s32 s5;
	_ =	sdelay $0x1  }
0xa2: {  	s23 =	simm.s32 $0x1B8B  }
0xa3: {  	_ =	swait.ge [sflag:s23], $0x1  }
0xa4: {  	[sflag:s23] =	ssyncset.done $0x0  }
0xa5: {  	s25 =	simm.s32 $0x1B8E;
	s24 =	sld [smem:$0x3FFE];
	[sflag:s23] =	ssyncadd.s32 $0xFFFFFFFF  }
0xa6: {  	s26 =	simm.s32 $execute0_lowered;
	[smem:$0x3FD2] =	sst s25  }
0xa7: {  	s6 =	sshll.u32 s26, $0x1;
	_ =	strace $0x80000046;
	[dreg:$0x1] =	wrdreg $0xFFFFFFFF  }
0xa8: {  	s28 =	simm.s32 $_size_execute0_lowered;
	s4 =	sadd.s32 s4, s6;
	[dreg:$0x0] =	wrdreg $0x0  }
0xa9: {  	s6 =	sshll.u32 s28, $0x1;
	[dreg:$0x2] =	wrdreg s4  }
0xaa: {  	[dreg:$0x3] =	wrdreg s6  }
0xab: {  	[dreg:$0x4] =	wrdreg $0xC0  }
0xac: {  	_ =	task [dreg:s8], $0x5FFFF  }
0xad: {  	[dreg:$0x1] =	wrdreg $0xFFFFFFFF  }
0xae: {  	[dreg:$0x0] =	wrdreg $0x60  }
0xaf: {  	[dreg:$0x2] =	wrdreg s2  }
0xb0: {  	[dreg:$0x3] =	wrdreg s24  }
0xb1: {  	[dreg:$0x4] =	wrdreg s18  }
0xb2: {  	[dreg:$0x5] =	wrdreg $0x70000  }
0xb3: {  	[dreg:$0x6] =	wrdreg $0x9  }
0xb4: {  	_ =	task.clear_ibuf [dreg:s8], $0x7FFFF;
	_ =	strace $0x90000046  }
0xb5: {  	s29 =	simm.s32 $0x9;
	_ =	strace $0x80000048  }
0xb6: {  	_ =	swait.ge [sflag:s29], $0x1  }
0xb7: {  	[sflag:s29] =	ssyncadd.s32 $0xFFFFFFFF  }
0xb8: {  	_ =	strace $0x90000048  }
0xb9: {  	_ =	sfence  }
0xba: {  	s30 =	sld [smem:$0x0];
	_ =	sdelay $0x2  }
0xbb: {  	s31 =	sshll.u32 s1, $0xD;
	s1 =	sshrl.u32 s1, $0x2  }
0xbc: {  	s3 =	sand.u32 $0x4000, s31;
	s1 =	sadd.s32 s1, s30  }
0xbd: {  	s0 =	sor.u32 s3, s0;
	s1 =	sshll.u32 s1, $0x11  }
0xbe: {  	s0 =	sor.u32 s1, s0  }
0xbf: {  	s0 =	sadd.s32 $0x8F2B, s0  }
0xc0: {  	[sflag:s0] =	ssyncadd.remote.s32 $0x1  }
0xc1: {  	_ =	sfence.sel $0xFFFF  }
0xc2: {  	[dreg:$0x0] =	wrdreg $0xFFFFFFFF;
	(pc) =	sbr.abs _section_cstart, $3  }
0xc3: {  	[dreg:$0x1] =	wrdreg $0xFFFFFFFF  }
0xc4: {  	_ =	task.clear_ibuf [dreg:s8], $0x2FFFF;
	_ =	strace $0x9FFFFFFF  }
0xc5: {  	(tm) =	ssettm $0x7FFFFFFF  }
tec
execute0_lowered:
.L_overlay_start_1:
0x0: {  	(tag) =	ssettag $0x1  }
0x1: {  	s1 =	rddreg [dreg:$0x0]  }
0x2: {  	s0 =	rddreg [dreg:$0x1]  }
0x3: {  	s3 =	rddreg [dreg:$0x2]  }
0x4: {  	s2 =	rddreg [dreg:$0x3]  }
0x5: {  	s5 =	srdreg.scid;
	s4 =	simm.s32 $0x0;
	s14 =	stileid.u32  }
0x6: {  	s28 =	simm.s32 $0x2000;
	s29 =	simm.s32 $0x3;
	s30 =	simm.s32 $0x1  }
0x7: {  	s31 =	simm.s32 $0x1000;
	s5 =	sand.u32 $0x1, s5;
	[smem:$0x7FF] =	sst s4  }
0x8: {  	s9 =	smul.u32 $0x14000, s14;
	s10 =	sadd.s32 $0x2A400, s0;
	s6 =	ssub.s32 $0x2, s5  }
0x9: {  	s8 =	sshll.u32 s5, $0x4;
	s5 =	smul.u32 $0x140000, s5;
	s7 =	sshrl.u32 s6, $0x1  }
0xa: {  	s11 =	sadd.s32 $0x5000, s9;
	s20 =	sadd.s32 $0x7800, s9;
	s21 =	sadd.s32 $0xA000, s9  }
0xb: {  	s22 =	sadd.s32 $0xC800, s9;
	s23 =	sadd.s32 $0xF000, s9;
	s24 =	sadd.s32 $0x11800, s9  }
0xc: {  	s6 =	ssub.s32 s6, s7;
	s7 =	sor.u32 s14, s8;
	s8 =	sor.u32 $0x2800, s9  }
0xd: {  	s9 =	sadd.s32 s9, s5;
	s13 =	sadd.s32 s5, s11;
	s19 =	sadd.s32 s5, s20  }
0xe: {  	s25 =	sadd.s32 s5, s21;
	s26 =	sadd.s32 s5, s22;
	s20 =	sadd.s32 s20, s2  }
0xf: {  	s21 =	sadd.s32 s21, s2;
	s22 =	sadd.s32 s22, s2;
	s9 =	sshrl.u32 s9, $0x3  }
0x10: {  	s12 =	sadd.s32 s5, s8;
	s17 =	sshrl.u32 s13, $0x3;
	s15 =	sshrl.u32 s25, $0x3  }
0x11: {  	s25 =	smul.u32 $0x50000, s14;
	s14 =	sadd.s32 $0x15E00, s0;
	s9 =	sadd.s32 s10, s9  }
0x12: {  	s16 =	sshrl.u32 s12, $0x3;
	s18 =	sadd.s32 s10, s17;
	[dreg:$0x5] =	wrdreg s9  }
0x13: {  	s9 =	sadd.s32 s10, s16;
	[dreg:$0x7] =	wrdreg s18;
	s16 =	sshrl.u32 s26, $0x3  }
0x14: {  	s18 =	sadd.s32 s5, s23;
	s5 =	sadd.s32 s5, s24;
	s26 =	sshrl.u32 s25, $0x2  }
0x15: {  	s23 =	sadd.s32 s23, s2;
	s24 =	sadd.s32 s24, s2;
	s25 =	smul.u32 $0x5000, s7  }
0x16: {  	[dreg:$0x6] =	wrdreg s9;
	s9 =	sshrl.u32 s19, $0x3;
	s17 =	sadd.s32 s10, s16  }
0x17: {  	s19 =	smul.u32 $0x4F0, s7;
	s5 =	sshrl.u32 s5, $0x3;
	s16 =	sadd.s32 $0x29E00, s0  }
0x18: {  	s7 =	simm.s32 $0x1C00;
	s9 =	sadd.s32 s10, s9;
	[dreg:$0xa] =	wrdreg s17  }
0x19: {  	s5 =	sadd.s32 s10, s5;
	s17 =	sadd.s32 s26, s2;
	s26 =	smax.u32 s6, $0x1  }
0x1a: {  	s6 =	simm.s32 $0x2;
	[dreg:$0x8] =	wrdreg s9;
	s9 =	sadd.s32 s10, s15  }
0x1b: {  	[dreg:$0xc] =	wrdreg s5;
	s3 =	sadd.s32 s3, s19;
	s15 =	sadd.s32 $0x1E00, s0  }
0x1c: {  	s19 =	sadd.s32 s11, s2;
	[dreg:$0x9] =	wrdreg s9;
	s9 =	sshrl.u32 s18, $0x3  }
0x1d: {  	s0 =	simm.s32 $0x50;
	s5 =	simm.s32 $0x1B000;
	s9 =	sadd.s32 s10, s9  }
0x1e: {  	s18 =	sadd.s32 s8, s2;
	s8 =	simm.s32 $0x0;
	[dreg:$0xb] =	wrdreg s9  }
0x1f: {  	v0 =	vimm.f32 $0.0e+00;
	v1 =	vimm.f32 $1.000000000e+00;
	_ =	strace $0x80000047;
	[dreg:$0xd] =	wrdreg s3;
	s3 =	simm.s32 $0x4800  }
.LBB2_1:
0x20: {  	[tilespmem:s28], [sflag:$0x3] =	stream.linear.gather [hbm4b:s16+s4], $0x2800, $0x38;
	[tilespmem:$0x1D780] =	vst v63  }
0x21: {  	_ =	swait.ge [sflag:s29], $0x2800  }
0x22: {  	[sflag:s29] =	ssyncset.done $0x0  }
0x23: {  	[sflag:s29] =	ssyncadd.s32 $0xFFFFD800  }
0x24: {  	[spmem:s17] =	stream.linear.scatter [tilespmem:s28], [sflag:$0x1], $0x2800, $0x38;
	[tilespmem:$0x1D780] =	vst v63  }
0x25: {  	_ = 	snop  }
0x26: {  	[spmem:s18] =	stream.linear.scatter [tilespmem:s28], [sflag:$0x1], $0x2800, $0x38;
	[tilespmem:$0x1D780] =	vst v63  }
0x27: {  	_ = 	snop  }
0x28: {  	[spmem:s19] =	stream.linear.scatter [tilespmem:s28], [sflag:$0x1], $0x2800, $0x38;
	[tilespmem:$0x1D780] =	vst v63  }
0x29: {  	_ = 	snop  }
0x2a: {  	[spmem:s20] =	stream.linear.scatter [tilespmem:s28], [sflag:$0x1], $0x2800, $0x38;
	[tilespmem:$0x1D780] =	vst v63  }
0x2b: {  	_ = 	snop  }
0x2c: {  	[spmem:s21] =	stream.linear.scatter [tilespmem:s28], [sflag:$0x1], $0x2800, $0x38;
	[tilespmem:$0x1D780] =	vst v63  }
0x2d: {  	_ = 	snop  }
0x2e: {  	[spmem:s22] =	stream.linear.scatter [tilespmem:s28], [sflag:$0x1], $0x2800, $0x38;
	[tilespmem:$0x1D780] =	vst v63  }
0x2f: {  	_ = 	snop  }
0x30: {  	[spmem:s23] =	stream.linear.scatter [tilespmem:s28], [sflag:$0x1], $0x2800, $0x38;
	[tilespmem:$0x1D780] =	vst v63  }
0x31: {  	_ = 	snop  }
0x32: {  	[spmem:s24] =	stream.linear.scatter [tilespmem:s28], [sflag:$0x1], $0x2800, $0x38;
	[tilespmem:$0x1D780] =	vst v63  }
0x33: {  	_ =	swait.ge [sflag:s30], $0x2800  }
0x34: {  	[sflag:s30] =	ssyncset.done $0x0  }
0x35: {  	[sflag:s30] =	ssyncadd.s32 $0xFFFFD800  }
0x36: {  	_ =	swait.ge [sflag:s30], $0x2800  }
0x37: {  	[sflag:s30] =	ssyncset.done $0x0  }
0x38: {  	[sflag:s30] =	ssyncadd.s32 $0xFFFFD800  }
0x39: {  	_ =	swait.ge [sflag:s30], $0x2800  }
0x3a: {  	[sflag:s30] =	ssyncset.done $0x0  }
0x3b: {  	[sflag:s30] =	ssyncadd.s32 $0xFFFFD800  }
0x3c: {  	_ =	swait.ge [sflag:s30], $0x2800  }
0x3d: {  	[sflag:s30] =	ssyncset.done $0x0  }
0x3e: {  	[sflag:s30] =	ssyncadd.s32 $0xFFFFD800  }
0x3f: {  	_ =	swait.ge [sflag:s30], $0x2800  }
0x40: {  	[sflag:s30] =	ssyncset.done $0x0  }
0x41: {  	[sflag:s30] =	ssyncadd.s32 $0xFFFFD800  }
0x42: {  	_ =	swait.ge [sflag:s30], $0x2800  }
0x43: {  	[sflag:s30] =	ssyncset.done $0x0  }
0x44: {  	[sflag:s30] =	ssyncadd.s32 $0xFFFFD800  }
0x45: {  	_ =	swait.ge [sflag:s30], $0x2800  }
0x46: {  	[sflag:s30] =	ssyncset.done $0x0  }
0x47: {  	[sflag:s30] =	ssyncadd.s32 $0xFFFFD800  }
0x48: {  	_ =	swait.ge [sflag:s30], $0x2800  }
0x49: {  	[sflag:s30] =	ssyncset.done $0x0  }
0x4a: {  	s9 =	simm.s32 $0x40;
	s10 =	simm.s32 $0x0;
	[sflag:s30] =	ssyncadd.s32 $0xFFFFD800  }
.LBB2_2:
0x4b: {  	p0 =	sne.s32 s9, $0x9C00;
	[tilespmem:s10+$0x1B000] =	vst v0;
	s10 =	smov.u32 s9;
	s9 =	sadd.s32 $0x40, s9  }
.Ltmp0:
0x4c: {  	(pc) =	sbr.rel @p0 .LBB2_2-.Ltmp0, $2  }
0x4d: {  	_ =	sdelay $0x2  }
0x4e: {  	s10 =	sshra.s32 s10, $0x2  }
0x4f: {  	[tilespmem:s10+$0x1B000] =	vst v0  }
0x50: {  	s9 =	simm.s32 $0x0;
	s10 =	simm.s32 $0x0;
	[bflag:$0x0] =	sbarrier.arrive $0xFFFF  }
.LBB2_4:
0x51: {  	s11 =	sshll.u32 s10, $0xC  }
0x52: {  	s11 =	sadd.s32 s25, s11  }
0x53: {  	s11 =	sshrl.u32 s11, $0x3  }
0x54: {  	s12 =	sadd.s32 s14, s11  }
0x55: {  	[tilespmem:s9], [sflag:$0x3] =	stream.linear.gather [hbm4b:s12+s9], $0xC80, $0x38;
	[tilespmem:$0x1D780] =	vst v63  }
0x56: {  	_ =	swait.ge [sflag:s29], $0xC80  }
0x57: {  	[sflag:s29] =	ssyncset.done $0x0  }
0x58: {  	s11 =	sadd.s32 s15, s11;
	[sflag:s29] =	ssyncadd.s32 $0xFFFFF380  }
0x59: {  	[tilespmem:s31], [sflag:$0x3] =	stream.linear.gather [hbm4b:s11+s9], $0xC80, $0x38;
	[tilespmem:$0x1D780] =	vst v63  }
0x5a: {  	_ =	swait.ge [sflag:s29], $0xC80  }
0x5b: {  	[sflag:s29] =	ssyncset.done $0x0  }
0x5c: {  	s11 =	simm.s32 $0x0;
	[sflag:s29] =	ssyncadd.s32 $0xFFFFF380  }
0x5d: {  	[tilespmem:s28], [sflag:$0x1] =	stream.indirect.gather [hbm4b:s1+s0], $0x80, s9, s0, $0xb8;
	[tilespmem:$0x1D780] =	vst v63  }
.LBB2_5:
0x5e: {  	s12 =	sshra.s32 s11, $0x2  }
0x5f: {  	s13 =	sadd.s32 $0x80, s12  }
0x60: {  	[tilespmem:s3], [sflag:$0x2] =	stream.indirect.gather [hbm4b:s1+s0], $0x80, s13, s0, $0xb8;
	[tilespmem:$0x1D780] =	vst v63  }
0x61: {  	_ =	swait.ge [sflag:s30], $0x2800  }
0x62: {  	[sflag:s30] =	ssyncset.done $0x0  }
0x63: {  	s13 =	sadd.s32 $0x1000, s12;
	[sflag:s30] =	ssyncadd.s32 $0xFFFFD800  }
0x64: {  	[spmem:s2] =	stream.indirect.scatter.add.f32 [tilespmem:s28], [sflag:$0x3], $0x80, s13, s0, $0xb8;
	[tilespmem:$0x1D780] =	vst v63  }
0x65: {  	_ =	swait.ge [sflag:s29], $0x2800  }
0x66: {  	[sflag:s29] =	ssyncset.done $0x0  }
0x67: {  	s13 =	sadd.s32 $0x100, s12;
	[sflag:s29] =	ssyncadd.s32 $0xFFFFD800  }
0x68: {  	[tilespmem:s28], [sflag:$0x1] =	stream.indirect.gather [hbm4b:s1+s0], $0x80, s13, s0, $0xb8;
	[tilespmem:$0x1D780] =	vst v63  }
0x69: {  	v2 =	vld [tilespmem:s12+$0x1000];
	_ =	sdelay $0x7  }
0x6a: {  	[tilespmem:v2+s5+$0x0] =	vst.idx.add.f32.msk $0xffff, v1  }
0x6b: {  	v2 =	vld [tilespmem:s12+$0x1010];
	_ =	sdelay $0x7  }
0x6c: {  	[tilespmem:v2+s5+$0x0] =	vst.idx.add.f32.msk $0xffff, v1  }
0x6d: {  	v2 =	vld [tilespmem:s12+$0x1020];
	_ =	sdelay $0x7  }
0x6e: {  	[tilespmem:v2+s5+$0x0] =	vst.idx.add.f32.msk $0xffff, v1  }
0x6f: {  	v2 =	vld [tilespmem:s12+$0x1030];
	_ =	sdelay $0x7  }
0x70: {  	[tilespmem:v2+s5+$0x0] =	vst.idx.add.f32.msk $0xffff, v1  }
0x71: {  	v2 =	vld [tilespmem:s12+$0x1040];
	_ =	sdelay $0x7  }
0x72: {  	[tilespmem:v2+s5+$0x0] =	vst.idx.add.f32.msk $0xffff, v1  }
0x73: {  	_ =	swait.ge [sflag:s6], $0x2800  }
0x74: {  	[sflag:s6] =	ssyncset.done $0x0  }
0x75: {  	s13 =	sadd.s32 $0x1080, s12;
	[sflag:s6] =	ssyncadd.s32 $0xFFFFD800  }
0x76: {  	[spmem:s2] =	stream.indirect.scatter.add.f32 [tilespmem:s3], [sflag:$0x3], $0x80, s13, s0, $0xb8;
	[tilespmem:$0x1D780] =	vst v63  }
0x77: {  	_ =	swait.ge [sflag:s29], $0x2800  }
0x78: {  	[sflag:s29] =	ssyncset.done $0x0  }
0x79: {  	[sflag:s29] =	ssyncadd.s32 $0xFFFFD800  }
0x7a: {  	v2 =	vld [tilespmem:s12+$0x1080];
	_ =	sdelay $0x7  }
0x7b: {  	[tilespmem:v2+s5+$0x0] =	vst.idx.add.f32.msk $0xffff, v1  }
0x7c: {  	v2 =	vld [tilespmem:s12+$0x1090];
	_ =	sdelay $0x7  }
0x7d: {  	[tilespmem:v2+s5+$0x0] =	vst.idx.add.f32.msk $0xffff, v1  }
0x7e: {  	v2 =	vld [tilespmem:s12+$0x10A0];
	_ =	sdelay $0x7  }
0x7f: {  	[tilespmem:v2+s5+$0x0] =	vst.idx.add.f32.msk $0xffff, v1  }
0x80: {  	v2 =	vld [tilespmem:s12+$0x10B0];
	_ =	sdelay $0x7  }
0x81: {  	[tilespmem:v2+s5+$0x0] =	vst.idx.add.f32.msk $0xffff, v1  }
0x82: {  	v2 =	vld [tilespmem:s12+$0x10C0];
	_ =	sdelay $0x2  }
0x83: {  	p0 =	sne.s32 s11, $0x2C00  }
.Ltmp1:
0x84: {  	_ = 	snop;
	(pc) =	sbr.rel @p0 .LBB2_5-.Ltmp1, $2  }
0x85: {  	_ =	sdelay $0x2  }
0x86: {  	s11 =	sadd.s32 $0x400, s11;
	[tilespmem:v2+s5+$0x0] =	vst.idx.add.f32.msk $0xffff, v1  }
0x87: {  	_ =	swait.ge [sflag:s30], $0x2800  }
0x88: {  	[sflag:s30] =	ssyncset.done $0x0  }
0x89: {  	[sflag:s30] =	ssyncadd.s32 $0xFFFFD800  }
0x8a: {  	[spmem:s2] =	stream.indirect.scatter.add.f32 [tilespmem:s28], [sflag:$0x3], $0x80, s7, s0, $0xb8;
	[tilespmem:$0x1D780] =	vst v63  }
0x8b: {  	_ =	swait.ge [sflag:s29], $0x2800  }
0x8c: {  	[sflag:s29] =	ssyncset.done $0x0  }
0x8d: {  	[sflag:s29] =	ssyncadd.s32 $0xFFFFD800  }
0x8e: {  	v2 =	vld [tilespmem:$0x1C00];
	_ =	sdelay $0x7  }
0x8f: {  	[tilespmem:v2+s5+$0x0] =	vst.idx.add.f32.msk $0xffff, v1  }
0x90: {  	v2 =	vld [tilespmem:$0x1C10];
	_ =	sdelay $0x7  }
0x91: {  	[tilespmem:v2+s5+$0x0] =	vst.idx.add.f32.msk $0xffff, v1  }
0x92: {  	v2 =	vld [tilespmem:$0x1C20];
	_ =	sdelay $0x7  }
0x93: {  	[tilespmem:v2+s5+$0x0] =	vst.idx.add.f32.msk $0xffff, v1  }
0x94: {  	v2 =	vld [tilespmem:$0x1C30];
	_ =	sdelay $0x7  }
0x95: {  	[tilespmem:v2+s5+$0x0] =	vst.idx.add.f32.msk $0xffff, v1  }
0x96: {  	v2 =	vld [tilespmem:$0x1C40];
	_ =	sdelay $0x1  }
0x97: {  	s10 =	sadd.s32 $0x1, s10  }
0x98: {  	p0 =	sne.s32 s10, $0x5  }
.Ltmp2:
0x99: {  	_ = 	snop;
	(pc) =	sbr.rel @p0 .LBB2_4-.Ltmp2, $2  }
0x9a: {  	_ =	sdelay $0x2  }
0x9b: {  	[tilespmem:v2+s5+$0x0] =	vst.idx.add.f32.msk $0xffff, v1  }
0x9c: {  	[bflag:$0x0] =	sbarrier.arrive $0xFFFF  }
0x9d: {  	[tilespmem:s28], [sflag:$0x3] =	stream.linear.gather [spmem:s17], $0x2800, $0x38;
	[tilespmem:$0x1D780] =	vst v63  }
0x9e: {  	_ =	swait.ge [sflag:s29], $0x2800  }
0x9f: {  	[sflag:s29] =	ssyncset.done $0x0  }
0xa0: {  	s9 =	rddreg [dreg:$0x5];
	[sflag:s29] =	ssyncadd.s32 $0xFFFFD800  }
0xa1: {  	[hbm4b:s9+s4] =	stream.linear.scatter [tilespmem:s28], [sflag:$0x1], $0x2800, $0x38;
	[tilespmem:$0x1D780] =	vst v63  }
0xa2: {  	_ = 	snop  }
0xa3: {  	[tilespmem:s3], [sflag:$0x3] =	stream.linear.gather [spmem:s18], $0x2800, $0x38;
	[tilespmem:$0x1D780] =	vst v63  }
0xa4: {  	_ =	swait.ge [sflag:s29], $0x2800  }
0xa5: {  	[sflag:s29] =	ssyncset.done $0x0  }
0xa6: {  	s10 =	rddreg [dreg:$0x6];
	[sflag:s29] =	ssyncadd.s32 $0xFFFFD800  }
0xa7: {  	[hbm4b:s10+s4] =	stream.linear.scatter [tilespmem:s3], [sflag:$0x2], $0x2800, $0x38;
	[tilespmem:$0x1D780] =	vst v63  }
0xa8: {  	_ =	swait.ge [sflag:s30], $0x2800  }
0xa9: {  	[sflag:s30] =	ssyncset.done $0x0  }
0xaa: {  	[sflag:s30] =	ssyncadd.s32 $0xFFFFD800  }
0xab: {  	[tilespmem:s28], [sflag:$0x3] =	stream.linear.gather [spmem:s19], $0x2800, $0x38;
	[tilespmem:$0x1D780] =	vst v63  }
0xac: {  	_ =	swait.ge [sflag:s29], $0x2800  }
0xad: {  	[sflag:s29] =	ssyncset.done $0x0  }
0xae: {  	s11 =	rddreg [dreg:$0x7];
	[sflag:s29] =	ssyncadd.s32 $0xFFFFD800  }
0xaf: {  	[hbm4b:s11+s4] =	stream.linear.scatter [tilespmem:s28], [sflag:$0x1], $0x2800, $0x38;
	[tilespmem:$0x1D780] =	vst v63  }
0xb0: {  	_ =	swait.ge [sflag:s6], $0x2800  }
0xb1: {  	[sflag:s6] =	ssyncset.done $0x0  }
0xb2: {  	[sflag:s6] =	ssyncadd.s32 $0xFFFFD800  }
0xb3: {  	[tilespmem:s3], [sflag:$0x3] =	stream.linear.gather [spmem:s20], $0x2800, $0x38;
	[tilespmem:$0x1D780] =	vst v63  }
0xb4: {  	_ =	swait.ge [sflag:s29], $0x2800  }
0xb5: {  	[sflag:s29] =	ssyncset.done $0x0  }
0xb6: {  	s12 =	rddreg [dreg:$0x8];
	[sflag:s29] =	ssyncadd.s32 $0xFFFFD800  }
0xb7: {  	[hbm4b:s12+s4] =	stream.linear.scatter [tilespmem:s3], [sflag:$0x2], $0x2800, $0x38;
	[tilespmem:$0x1D780] =	vst v63  }
0xb8: {  	_ =	swait.ge [sflag:s30], $0x2800  }
0xb9: {  	[sflag:s30] =	ssyncset.done $0x0  }
0xba: {  	[sflag:s30] =	ssyncadd.s32 $0xFFFFD800  }
0xbb: {  	[tilespmem:s28], [sflag:$0x3] =	stream.linear.gather [spmem:s21], $0x2800, $0x38;
	[tilespmem:$0x1D780] =	vst v63  }
0xbc: {  	_ =	swait.ge [sflag:s29], $0x2800  }
0xbd: {  	[sflag:s29] =	ssyncset.done $0x0  }
0xbe: {  	s13 =	rddreg [dreg:$0x9];
	[sflag:s29] =	ssyncadd.s32 $0xFFFFD800  }
0xbf: {  	[hbm4b:s13+s4] =	stream.linear.scatter [tilespmem:s28], [sflag:$0x1], $0x2800, $0x38;
	[tilespmem:$0x1D780] =	vst v63  }
0xc0: {  	_ =	swait.ge [sflag:s6], $0x2800  }
0xc1: {  	[sflag:s6] =	ssyncset.done $0x0  }
0xc2: {  	[sflag:s6] =	ssyncadd.s32 $0xFFFFD800  }
0xc3: {  	[tilespmem:s3], [sflag:$0x3] =	stream.linear.gather [spmem:s22], $0x2800, $0x38;
	[tilespmem:$0x1D780] =	vst v63  }
0xc4: {  	_ =	swait.ge [sflag:s29], $0x2800  }
0xc5: {  	[sflag:s29] =	ssyncset.done $0x0  }
0xc6: {  	s10 =	rddreg [dreg:$0xa];
	[sflag:s29] =	ssyncadd.s32 $0xFFFFD800  }
0xc7: {  	[hbm4b:s10+s4] =	stream.linear.scatter [tilespmem:s3], [sflag:$0x2], $0x2800, $0x38;
	[tilespmem:$0x1D780] =	vst v63  }
0xc8: {  	_ =	swait.ge [sflag:s30], $0x2800  }
0xc9: {  	[sflag:s30] =	ssyncset.done $0x0  }
0xca: {  	[sflag:s30] =	ssyncadd.s32 $0xFFFFD800  }
0xcb: {  	[tilespmem:s28], [sflag:$0x3] =	stream.linear.gather [spmem:s23], $0x2800, $0x38;
	[tilespmem:$0x1D780] =	vst v63  }
0xcc: {  	_ =	swait.ge [sflag:s29], $0x2800  }
0xcd: {  	[sflag:s29] =	ssyncset.done $0x0  }
0xce: {  	s11 =	rddreg [dreg:$0xb];
	[sflag:s29] =	ssyncadd.s32 $0xFFFFD800  }
0xcf: {  	[hbm4b:s11+s4] =	stream.linear.scatter [tilespmem:s28], [sflag:$0x1], $0x2800, $0x38;
	[tilespmem:$0x1D780] =	vst v63  }
0xd0: {  	_ =	swait.ge [sflag:s6], $0x2800  }
0xd1: {  	[sflag:s6] =	ssyncset.done $0x0  }
0xd2: {  	[sflag:s6] =	ssyncadd.s32 $0xFFFFD800  }
0xd3: {  	[tilespmem:s3], [sflag:$0x3] =	stream.linear.gather [spmem:s24], $0x2800, $0x38;
	[tilespmem:$0x1D780] =	vst v63  }
0xd4: {  	_ =	swait.ge [sflag:s29], $0x2800  }
0xd5: {  	[sflag:s29] =	ssyncset.done $0x0  }
0xd6: {  	s12 =	rddreg [dreg:$0xc];
	[sflag:s29] =	ssyncadd.s32 $0xFFFFD800  }
0xd7: {  	[hbm4b:s12+s4] =	stream.linear.scatter [tilespmem:s3], [sflag:$0x2], $0x2800, $0x38;
	[tilespmem:$0x1D780] =	vst v63  }
0xd8: {  	_ =	swait.ge [sflag:s30], $0x2800  }
0xd9: {  	[sflag:s30] =	ssyncset.done $0x0  }
0xda: {  	[sflag:s30] =	ssyncadd.s32 $0xFFFFD800  }
0xdb: {  	s8 =	sadd.s32 $0x1, s8;
	_ =	swait.ge [sflag:s6], $0x2800  }
0xdc: {  	p0 =	sne.s32 s8, s26;
	[sflag:s6] =	ssyncset.done $0x0  }
.Ltmp3:
0xdd: {  	s13 =	rddreg [dreg:$0xd];
	[sflag:s6] =	ssyncadd.s32 $0xFFFFD800;
	(pc) =	sbr.rel @p0 .LBB2_1-.Ltmp3, $4  }
0xde: {  	[hbm4b:s13+s4] =	stream.linear.scatter [tilespmem:s5], [sflag:$0x3], $0x2780, $0x38;
	[tilespmem:$0x1D780] =	vst v63  }
0xdf: {  	_ =	swait.ge [sflag:s29], $0x2780  }
0xe0: {  	[sflag:s29] =	ssyncset.done $0x0  }
0xe1: {  	[sflag:s29] =	ssyncadd.s32 $0xFFFFD880  }
0xe2: {  	_ =	sfence.sel $0x180000  }
0xe3: {  	[bflag:$0x0] =	sbarrier.arrive $0xFFFF  }
0xe4: {  	_ =	strace $0x90000047  }
0xe5: {  	s0 =	stileid.u32;
	[bflag:$0x2] =	sbarrier.arrive $0xFFFF  }
0xe6: {  	p0 =	sne.s32 s0, $0x0;
	s0 =	rddreg [dreg:$0x4]  }
0xe7: {  	s0 =	sadd.s32 @!p0 $0x100000, s0  }
0xe8: {  	[sflag:s0] =	ssyncadd.tile.s32 @!p0 $0x1;
	_ =	shalt  }
.Lfunc_end2:
_tile_overlayer_lowered:
.L_overlay_start_2:
0xe9: {  	(tag) =	ssettag $0x2  }
0xea: {  	s0 =	rddreg [dreg:$0x0];
	s2 =	stileid.u32  }
0xeb: {  	s1 =	rddreg [dreg:$0x1];
	p0 =	sne.s32 s2, $0x0  }
0xec: {  	s3 =	rddreg [dreg:$0x2];
	[bflag:$0x3] =	sbarrier.arrive $0xFFFF;
	s2 =	simm.s32 @!p0 $0x1C03  }
0xed: {  	[timem:s3], [sflag:s2] =	dma.local @!p0 [hbm:s0], s1  }
0xee: {  	s0 =	simm.s32 @!p0 $0x3  }
0xef: {  	_ =	swait.ge @!p0 [sflag:s0], s1  }
0xf0: {  	s1 =	ssub.s32 @!p0 $0x0, s1;
	[sflag:s0] =	ssyncset.done @!p0 $0x0  }
0xf1: {  	[sflag:s0] =	ssyncadd.s32 @!p0 s1  }
0xf2: {  	[bflag:$0x3] =	sbarrier.arrive $0xFFFF  }
0xf3: {  	_ =	shalt  }

// kernel: kernel.9.cloned.1.call-start
scs
__scs_entry_jumppad:
0x0: {  	(pc) =	sbr.rel $0x88, $3  }
0x1: {  	(tag) =	ssettag $0x0;
	lr =	simm.s32 $0x1  }
0x2: {  	[smem:$0x3F99] =	sst lr;
	_ =	strace $0xD0000000  }
0x3: {  	_ = 	snop  }
0x4: {  	_ = 	snop  }
0x5: {  	_ = 	snop  }
0x6: {  	_ = 	snop  }
0x7: {  	_ = 	snop  }
__scs_overlays_trampoline_lowered:
0x8: {  	[smem:$0x3FA8] =	sst s0  }
0x9: {  	[smem:$0x3FA9] =	sst s1  }
0xa: {  	[smem:$0x3FAA] =	sst s2  }
0xb: {  	[smem:$0x3FAB] =	sst s3  }
0xc: {  	[smem:$0x3FAC] =	sst s4  }
0xd: {  	[smem:$0x3FAD] =	sst s5  }
0xe: {  	[smem:$0x3FAE] =	sst s6  }
0xf: {  	[smem:$0x3FAF] =	sst s7  }
0x10: {  	[smem:$0x3FB0] =	sst s8  }
0x11: {  	[smem:$0x3FB1] =	sst s9;
	s0 =	simm.s32 @!p0 $0x0  }
0x12: {  	s1 =	sld [smem:$0x3F97];
	s0 =	simm.s32 @p0 $0x1  }
0x13: {  	[smem:$0x3FB2] =	sst s0;
	s0 =	simm.s32 @!p1 $0x0  }
0x14: {  	s2 =	sld [smem:$0x3F96];
	s0 =	simm.s32 @p1 $0x1  }
0x15: {  	[smem:$0x3FB3] =	sst s0;
	s0 =	simm.s32 @!p2 $0x0  }
0x16: {  	s3 =	sld [smem:$0x3FDB];
	s0 =	simm.s32 @p2 $0x1  }
0x17: {  	s4 =	simm.s32 $0x1BF5;
	[smem:$0x3FB5] =	sst s0  }
0x18: {  	s0 =	sld [smem:$0x3F98];
	_ =	swait.ge [sflag:s4], $0x0  }
0x19: {  	s7 =	sld [smem:$0x3F99]  }
0x1a: {  	s8 =	sadd.s32 $0xFFFFE003, lr  }
0x1b: {  	s9 =	sadd.s32 $0xFFFFFEF7, lr;
	s5 =	simm.s32 $0xFFFFFFFF;
	p2 =	slt.u32 s8, $0xFFFFF086  }
0x1c: {  	p1 =	slt.u32 s9, $0xF7A;
	s5 =	simm.s32 @!p2 $0x0  }
0x1d: {  	s5 =	simm.s32 @p1 $0x1;
	p0 =	seq.s32 s7, s2  }
0x1e: {  	s7 =	smul.u32 @!p0 $0xF7A, s2;
	p2 =	seq.s32 @!p0 s5, $0x0  }
0x1f: {  	s9 =	smul.u32 $0xF7A, s1;
	s8 =	simm.s32 @!p0 $0x1BF5;
	p2 =	por !p2, p0  }
0x20: {  	[sflag:s8] =	ssyncset.s32 @!p0 $0xFFFFF086;
	s6 =	sadd.s32 @!p0 s3, s7;
	s7 =	simm.s32 @!p0 $0x108  }
0x21: {  	s3 =	sadd.s32 s3, s9;
	s6 =	sadd.s32 @!p0 $0x88, s6;
	s7 =	simm.s32 @p2 $0x1082  }
0x22: {  	[simem:s7], [sflag:s8] =	dma.local @!p0 [hbm:s6], $0xF7A  }
0x23: {  	s9 =	sor.u32 $0xD0000000, s2;
	s6 =	simm.s32 $0x108;
	_ =	swait.ge @!p0 [sflag:s8], $0x0  }
0x24: {  	s3 =	sadd.s32 $0x88, s3;
	s6 =	simm.s32 @!p1 $0x1082;
	[sflag:s4] =	ssyncset.s32 $0xFFFFF086  }
0x25: {  	[simem:s6], [sflag:s4] =	dma.local [hbm:s3], $0xF7A  }
0x26: {  	[smem:$0x3F99] =	sst s1;
	(tag) =	ssettag s2;
	_ =	strace s9  }
0x27: {  	s1 =	sld [smem:$0x3FA9]  }
0x28: {  	s2 =	sld [smem:$0x3FAA]  }
0x29: {  	s4 =	sld [smem:$0x3FAC]  }
0x2a: {  	p0 =	seq.s32 s5, $0x0;
	s5 =	sld [smem:$0x3FAD]  }
0x2b: {  	s6 =	sld [smem:$0x3FAE]  }
0x2c: {  	s7 =	sld [smem:$0x3FAF]  }
0x2d: {  	s3 =	simm.s32 $0x108;
	s8 =	sld [smem:$0x3FB0]  }
0x2e: {  	s3 =	simm.s32 @!p0 $0x1082;
	s9 =	sld [smem:$0x3FB1]  }
0x2f: {  	lr =	sadd.s32 s0, s3;
	s0 =	sld [smem:$0x3FA8]  }
0x30: {  	s3 =	sld [smem:$0x3FAB]  }
0x31: {  	[smem:$0x3FB4] =	sst s10  }
0x32: {  	s10 =	sld [smem:$0x3FB2];
	_ =	sdelay $0x3  }
0x33: {  	p0 =	seq.s32 s10, $0x1;
	s10 =	sld [smem:$0x3FB4];
	_ =	sdelay $0x3  }
0x34: {  	[smem:$0x3FB4] =	sst s10  }
0x35: {  	s10 =	sld [smem:$0x3FB3];
	_ =	sdelay $0x3  }
0x36: {  	p1 =	seq.s32 s10, $0x1;
	s10 =	sld [smem:$0x3FB4];
	_ =	sdelay $0x3  }
0x37: {  	[smem:$0x3FB4] =	sst s10  }
0x38: {  	s10 =	sld [smem:$0x3FB5]  }
0x39: {  	_ = 	snop;
	(pc) =	sbr.ind lr, $3  }
0x3a: {  	_ = 	snop  }
0x3b: {  	_ = 	snop  }
0x3c: {  	p2 =	seq.s32 s10, $0x1;
	s10 =	sld [smem:$0x3FB4]  }
0x3d: {  	_ =	shalt  }
0x3e: {  	_ =	shalt  }
0x3f: {  	_ =	shalt  }
0x40: {  	_ =	shalt  }
0x41: {  	_ =	shalt  }
0x42: {  	_ =	shalt  }
0x43: {  	_ =	shalt  }
0x44: {  	_ =	shalt  }
0x45: {  	_ =	shalt  }
0x46: {  	_ =	shalt  }
0x47: {  	_ =	shalt  }
0x48: {  	_ =	shalt  }
0x49: {  	_ =	shalt  }
0x4a: {  	_ =	shalt  }
0x4b: {  	_ =	shalt  }
0x4c: {  	_ =	shalt  }
0x4d: {  	_ =	shalt  }
0x4e: {  	_ =	shalt  }
0x4f: {  	_ =	shalt  }
0x50: {  	_ =	shalt  }
0x51: {  	_ =	shalt  }
0x52: {  	_ =	shalt  }
0x53: {  	_ =	shalt  }
0x54: {  	_ =	shalt  }
0x55: {  	_ =	shalt  }
0x56: {  	_ =	shalt  }
0x57: {  	_ =	shalt  }
0x58: {  	_ =	shalt  }
0x59: {  	_ =	shalt  }
0x5a: {  	_ =	shalt  }
0x5b: {  	_ =	shalt  }
0x5c: {  	_ =	shalt  }
0x5d: {  	_ =	shalt  }
0x5e: {  	_ =	shalt  }
0x5f: {  	_ =	shalt  }
0x60: {  	_ =	shalt  }
0x61: {  	_ =	shalt  }
0x62: {  	_ =	shalt  }
0x63: {  	_ =	shalt  }
0x64: {  	_ =	shalt  }
0x65: {  	_ =	shalt  }
0x66: {  	_ =	shalt  }
0x67: {  	_ =	shalt  }
0x68: {  	_ =	shalt  }
0x69: {  	_ =	shalt  }
0x6a: {  	_ =	shalt  }
0x6b: {  	_ =	shalt  }
0x6c: {  	_ =	shalt  }
0x6d: {  	_ =	shalt  }
0x6e: {  	_ =	shalt  }
0x6f: {  	_ =	shalt  }
0x70: {  	_ =	shalt  }
0x71: {  	_ =	shalt  }
0x72: {  	_ =	shalt  }
0x73: {  	_ =	shalt  }
0x74: {  	_ =	shalt  }
0x75: {  	_ =	shalt  }
0x76: {  	_ =	shalt  }
0x77: {  	_ =	shalt  }
0x78: {  	_ =	shalt  }
0x79: {  	_ =	shalt  }
0x7a: {  	_ =	shalt  }
0x7b: {  	_ =	shalt  }
0x7c: {  	_ =	shalt  }
0x7d: {  	_ =	shalt  }
0x7e: {  	_ =	shalt  }
0x7f: {  	_ =	shalt  }
0x80: {  	_ =	shalt  }
0x81: {  	_ =	shalt  }
0x82: {  	_ =	shalt  }
0x83: {  	_ =	shalt  }
0x84: {  	_ =	shalt  }
0x85: {  	_ =	shalt  }
0x86: {  	_ =	shalt  }
0x87: {  	_ =	shalt  }
.Lfunc_end0:
.L_simem_size_0:
called_computation.1_lowered:
.L_overlay_start_0:
0x88: {  	s2 =	sld [smem:$0x3FD9]  }
0x89: {  	s3 =	sld [smem:$0x3FFE];
	_ =	sdelay $0x1  }
0x8a: {  	s1 =	srdreg.scid  }
0x8b: {  	s0 =	sand.u32 $0x1, s1  }
0x8c: {  	s17 =	sshll.u32 s0, $0xA;
	s2 =	sadd.s32 s3, s2  }
0x8d: {  	s2 =	sadd.s32 s2, s17  }
0x8e: {  	[smem:$0x3FC0] =	sst s2  }
0x8f: {  	_ = 	snop  }
0x90: {  	s2 =	sld [smem:$0x3FD0];
	(tm) =	ssettm $0x1  }
0x91: {  	s18 =	sld [smem:$0x3FFB];
	_ =	sdelay $0x3  }
0x92: {  	_ =	strace s18  }
0x93: {  	s3 =	sld [smem:$0x3FFC];
	_ =	sdelay $0x3  }
0x94: {  	_ =	strace s3  }
0x95: {  	s3 =	sld [smem:$0x3FFD];
	_ =	sdelay $0x3  }
0x96: {  	_ =	strace s3  }
0x97: {  	_ =	strace $0x8FFFFFFF  }
0x98: {  	s19 =	sld [smem:$0x3FDB];
	_ =	sdelay $0x1  }
0x99: {  	s4 =	simm.s32 $_scs_section_size  }
0x9a: {  	s5 =	simm.s32 $_size__tile_overlayer_lowered;
	s6 =	simm.s32 $_tile_overlayer_lowered  }
0x9b: {  	s22 =	simm.s32 $0x1BFF;
	s21 =	sshll.u32 s6, $0x1;
	s3 =	sadd.s32 s4, s19  }
0x9c: {  	s7 =	simm.s32 $0x0;
	s20 =	sshll.u32 s5, $0x1;
	s5 =	sadd.s32 s21, s3  }
0x9d: {  	[timem:s7], [sflag:s22] =	dma.local [hbm:s5], s20  }
0x9e: {  	_ =	swait.ge [sflag:s22], s20  }
0x9f: {  	s4 =	ssub.s32 $0x0, s20;
	[sflag:s22] =	ssyncset.done $0x0  }
0xa0: {  	[sflag:s22] =	ssyncadd.s32 s4;
	_ =	sdelay $0x1  }
0xa1: {  	s23 =	simm.s32 $0x1B8B  }
0xa2: {  	_ =	swait.ge [sflag:s23], $0x1  }
0xa3: {  	[sflag:s23] =	ssyncset.done $0x0  }
0xa4: {  	s25 =	simm.s32 $0x1B8E;
	s24 =	sld [smem:$0x3FFE];
	[sflag:s23] =	ssyncadd.s32 $0xFFFFFFFF  }
0xa5: {  	s26 =	simm.s32 $execute0_lowered;
	[smem:$0x3FD2] =	sst s25  }
0xa6: {  	s5 =	sshll.u32 s26, $0x1;
	_ =	strace $0x80000049;
	[dreg:$0x1] =	wrdreg $0xFFFFFFFF  }
0xa7: {  	s28 =	simm.s32 $_size_execute0_lowered;
	s3 =	sadd.s32 s3, s5;
	[dreg:$0x0] =	wrdreg $0x0  }
0xa8: {  	s5 =	sshll.u32 s28, $0x1;
	[dreg:$0x2] =	wrdreg s3  }
0xa9: {  	[dreg:$0x3] =	wrdreg s5  }
0xaa: {  	[dreg:$0x4] =	wrdreg $0xC0  }
0xab: {  	_ =	task [dreg:s7], $0x5FFFF  }
0xac: {  	[dreg:$0x1] =	wrdreg $0xFFFFFFFF  }
0xad: {  	[dreg:$0x0] =	wrdreg $0x60  }
0xae: {  	[dreg:$0x2] =	wrdreg s2  }
0xaf: {  	[dreg:$0x3] =	wrdreg s24  }
0xb0: {  	[dreg:$0x4] =	wrdreg $0x70000  }
0xb1: {  	[dreg:$0x5] =	wrdreg $0x9  }
0xb2: {  	_ =	task.clear_ibuf [dreg:s7], $0x6FFFF;
	_ =	strace $0x90000049  }
0xb3: {  	s29 =	simm.s32 $0x9;
	_ =	strace $0x8000004B  }
0xb4: {  	_ =	swait.ge [sflag:s29], $0x1  }
0xb5: {  	[sflag:s29] =	ssyncadd.s32 $0xFFFFFFFF  }
0xb6: {  	_ =	strace $0x9000004B  }
0xb7: {  	_ =	sfence  }
0xb8: {  	s30 =	sld [smem:$0x0];
	_ =	sdelay $0x2  }
0xb9: {  	s31 =	sshll.u32 s1, $0xD;
	s1 =	sshrl.u32 s1, $0x2  }
0xba: {  	s3 =	sand.u32 $0x4000, s31;
	s1 =	sadd.s32 s1, s30  }
0xbb: {  	s0 =	sor.u32 s3, s0;
	s1 =	sshll.u32 s1, $0x11  }
0xbc: {  	s0 =	sor.u32 s1, s0  }
0xbd: {  	s0 =	sadd.s32 $0x8F2B, s0  }
0xbe: {  	[sflag:s0] =	ssyncadd.remote.s32 $0x1  }
0xbf: {  	_ =	sfence.sel $0xFFFF  }
0xc0: {  	[dreg:$0x0] =	wrdreg $0xFFFFFFFF;
	(pc) =	sbr.abs _section_cstart, $3  }
0xc1: {  	[dreg:$0x1] =	wrdreg $0xFFFFFFFF  }
0xc2: {  	_ =	task.clear_ibuf [dreg:s7], $0x2FFFF;
	_ =	strace $0x9FFFFFFF  }
0xc3: {  	(tm) =	ssettm $0x7FFFFFFF  }
tec
execute0_lowered:
.L_overlay_start_1:
0x0: {  	(tag) =	ssettag $0x1  }
0x1: {  	s1 =	rddreg [dreg:$0x0]  }
0x2: {  	s0 =	rddreg [dreg:$0x1]  }
0x3: {  	s2 =	rddreg [dreg:$0x2];
	s4 =	simm.s32 $0x0;
	s3 =	srdreg.scid  }
0x4: {  	s16 =	stileid.u32;
	s28 =	simm.s32 $0x3;
	s29 =	simm.s32 $0x1  }
0x5: {  	s30 =	simm.s32 $0x1000;
	s31 =	simm.s32 $0x50;
	[smem:$0x7FF] =	sst s4  }
0x6: {  	s3 =	sand.u32 $0x1, s3;
	s5 =	sadd.s32 $0x15E00, s0;
	s7 =	smul.u32 $0x14000, s16  }
0x7: {  	s8 =	sadd.s32 $0x2A400, s0;
	s10 =	smul.u32 $0x50000, s16;
	_ =	strace $0x8000004A  }
0x8: {  	s6 =	ssub.s32 $0x2, s3;
	s11 =	smul.u32 $0x140000, s3;
	s3 =	sshll.u32 s3, $0x4  }
0x9: {  	s9 =	sshrl.u32 s6, $0x1;
	s18 =	sadd.s32 $0x5000, s7;
	s19 =	sadd.s32 $0x7800, s7  }
0xa: {  	s20 =	sadd.s32 $0xA000, s7;
	s21 =	sadd.s32 $0xC800, s7;
	s22 =	sadd.s32 $0xF000, s7  }
0xb: {  	s6 =	ssub.s32 s6, s9;
	s9 =	sor.u32 $0x2800, s7;
	s12 =	sadd.s32 s7, s11  }
0xc: {  	s7 =	sadd.s32 $0x11800, s7;
	s24 =	sadd.s32 s11, s18;
	s25 =	sadd.s32 s11, s19  }
0xd: {  	s14 =	sadd.s32 s11, s20;
	s15 =	sadd.s32 s11, s22;
	s18 =	sadd.s32 s18, s2  }
0xe: {  	s19 =	sadd.s32 s19, s2;
	s20 =	sadd.s32 s20, s2;
	s12 =	sshrl.u32 s12, $0x3  }
0xf: {  	s22 =	sadd.s32 s22, s2;
	s13 =	sadd.s32 s11, s9;
	s12 =	sadd.s32 s8, s12  }
0x10: {  	s14 =	sshrl.u32 s14, $0x3;
	s13 =	sshrl.u32 s13, $0x3;
	[dreg:$0x4] =	wrdreg s12  }
0x11: {  	s23 =	sadd.s32 s8, s13;
	s12 =	sshrl.u32 s24, $0x3;
	s13 =	sshrl.u32 s25, $0x3  }
0x12: {  	s25 =	sshrl.u32 s10, $0x2;
	[dreg:$0x5] =	wrdreg s23;
	s12 =	sadd.s32 s8, s12  }
0x13: {  	s26 =	sadd.s32 s8, s13;
	s13 =	sadd.s32 s8, s14;
	[dreg:$0x6] =	wrdreg s12  }
0x14: {  	s14 =	sadd.s32 s11, s21;
	s11 =	sadd.s32 s11, s7;
	[dreg:$0x7] =	wrdreg s26  }
0x15: {  	s21 =	sadd.s32 s21, s2;
	[dreg:$0x8] =	wrdreg s13;
	s12 =	sshrl.u32 s14, $0x3  }
0x16: {  	s13 =	sshrl.u32 s15, $0x3;
	s17 =	sshrl.u32 s11, $0x3;
	s14 =	sadd.s32 $0x1E00, s0  }
0x17: {  	s15 =	sadd.s32 $0x29E00, s0;
	s26 =	sor.u32 s16, s3;
	s16 =	sadd.s32 s25, s2  }
0x18: {  	s25 =	smax.u32 s6, $0x1;
	s0 =	simm.s32 $0x4800;
	s23 =	sadd.s32 s8, s12  }
0x19: {  	s3 =	simm.s32 $0x2;
	s24 =	sadd.s32 s8, s13;
	[dreg:$0x9] =	wrdreg s23  }
0x1a: {  	s6 =	simm.s32 $0x1C00;
	s8 =	sadd.s32 s8, s17;
	[dreg:$0xa] =	wrdreg s24  }
0x1b: {  	s17 =	sadd.s32 s9, s2;
	[dreg:$0xb] =	wrdreg s8;
	s23 =	sadd.s32 s7, s2  }
0x1c: {  	s24 =	smul.u32 $0x5000, s26;
	s26 =	simm.s32 $0x2000;
	s7 =	simm.s32 $0x0  }
.LBB2_1:
0x1d: {  	[tilespmem:s26], [sflag:$0x3] =	stream.linear.gather [hbm4b:s15+s4], $0x2800, $0x38;
	[tilespmem:$0x1B000] =	vst v63  }
0x1e: {  	_ =	swait.ge [sflag:s28], $0x2800  }
0x1f: {  	[sflag:s28] =	ssyncset.done $0x0  }
0x20: {  	[sflag:s28] =	ssyncadd.s32 $0xFFFFD800  }
0x21: {  	[spmem:s16] =	stream.linear.scatter [tilespmem:s26], [sflag:$0x1], $0x2800, $0x38;
	[tilespmem:$0x1B000] =	vst v63  }
0x22: {  	_ = 	snop  }
0x23: {  	[spmem:s17] =	stream.linear.scatter [tilespmem:s26], [sflag:$0x1], $0x2800, $0x38;
	[tilespmem:$0x1B000] =	vst v63  }
0x24: {  	_ = 	snop  }
0x25: {  	[spmem:s18] =	stream.linear.scatter [tilespmem:s26], [sflag:$0x1], $0x2800, $0x38;
	[tilespmem:$0x1B000] =	vst v63  }
0x26: {  	_ = 	snop  }
0x27: {  	[spmem:s19] =	stream.linear.scatter [tilespmem:s26], [sflag:$0x1], $0x2800, $0x38;
	[tilespmem:$0x1B000] =	vst v63  }
0x28: {  	_ = 	snop  }
0x29: {  	[spmem:s20] =	stream.linear.scatter [tilespmem:s26], [sflag:$0x1], $0x2800, $0x38;
	[tilespmem:$0x1B000] =	vst v63  }
0x2a: {  	_ = 	snop  }
0x2b: {  	[spmem:s21] =	stream.linear.scatter [tilespmem:s26], [sflag:$0x1], $0x2800, $0x38;
	[tilespmem:$0x1B000] =	vst v63  }
0x2c: {  	_ = 	snop  }
0x2d: {  	[spmem:s22] =	stream.linear.scatter [tilespmem:s26], [sflag:$0x1], $0x2800, $0x38;
	[tilespmem:$0x1B000] =	vst v63  }
0x2e: {  	_ = 	snop  }
0x2f: {  	[spmem:s23] =	stream.linear.scatter [tilespmem:s26], [sflag:$0x1], $0x2800, $0x38;
	[tilespmem:$0x1B000] =	vst v63  }
0x30: {  	_ =	swait.ge [sflag:s29], $0x2800  }
0x31: {  	[sflag:s29] =	ssyncset.done $0x0  }
0x32: {  	[sflag:s29] =	ssyncadd.s32 $0xFFFFD800  }
0x33: {  	_ =	swait.ge [sflag:s29], $0x2800  }
0x34: {  	[sflag:s29] =	ssyncset.done $0x0  }
0x35: {  	[sflag:s29] =	ssyncadd.s32 $0xFFFFD800  }
0x36: {  	_ =	swait.ge [sflag:s29], $0x2800  }
0x37: {  	[sflag:s29] =	ssyncset.done $0x0  }
0x38: {  	[sflag:s29] =	ssyncadd.s32 $0xFFFFD800  }
0x39: {  	_ =	swait.ge [sflag:s29], $0x2800  }
0x3a: {  	[sflag:s29] =	ssyncset.done $0x0  }
0x3b: {  	[sflag:s29] =	ssyncadd.s32 $0xFFFFD800  }
0x3c: {  	_ =	swait.ge [sflag:s29], $0x2800  }
0x3d: {  	[sflag:s29] =	ssyncset.done $0x0  }
0x3e: {  	[sflag:s29] =	ssyncadd.s32 $0xFFFFD800  }
0x3f: {  	_ =	swait.ge [sflag:s29], $0x2800  }
0x40: {  	[sflag:s29] =	ssyncset.done $0x0  }
0x41: {  	[sflag:s29] =	ssyncadd.s32 $0xFFFFD800  }
0x42: {  	_ =	swait.ge [sflag:s29], $0x2800  }
0x43: {  	[sflag:s29] =	ssyncset.done $0x0  }
0x44: {  	[sflag:s29] =	ssyncadd.s32 $0xFFFFD800  }
0x45: {  	_ =	swait.ge [sflag:s29], $0x2800  }
0x46: {  	[sflag:s29] =	ssyncset.done $0x0  }
0x47: {  	[sflag:s29] =	ssyncadd.s32 $0xFFFFD800  }
0x48: {  	s8 =	simm.s32 $0x0;
	[bflag:$0x0] =	sbarrier.arrive $0xFFFF  }
.LBB2_2:
0x49: {  	s9 =	sshll.u32 s8, $0xC  }
0x4a: {  	s9 =	sadd.s32 s24, s9  }
0x4b: {  	s9 =	sshrl.u32 s9, $0x3  }
0x4c: {  	s11 =	simm.s32 $0x0;
	s10 =	sadd.s32 s5, s9  }
0x4d: {  	[tilespmem:s11], [sflag:$0x3] =	stream.linear.gather [hbm4b:s10+s11], $0xC80, $0x38;
	[tilespmem:$0x1B000] =	vst v63  }
0x4e: {  	_ =	swait.ge [sflag:s28], $0xC80  }
0x4f: {  	[sflag:s28] =	ssyncset.done $0x0  }
0x50: {  	s9 =	sadd.s32 s14, s9;
	[sflag:s28] =	ssyncadd.s32 $0xFFFFF380  }
0x51: {  	[tilespmem:s30], [sflag:$0x3] =	stream.linear.gather [hbm4b:s9+s11], $0xC80, $0x38;
	[tilespmem:$0x1B000] =	vst v63  }
0x52: {  	_ =	swait.ge [sflag:s28], $0xC80  }
0x53: {  	[sflag:s28] =	ssyncset.done $0x0  }
0x54: {  	[sflag:s28] =	ssyncadd.s32 $0xFFFFF380  }
0x55: {  	[tilespmem:s26], [sflag:$0x1] =	stream.indirect.gather [hbm4b:s1+s31], $0x80, s11, s31, $0xb8;
	[tilespmem:$0x1B000] =	vst v63  }
0x56: {  	s10 =	simm.s32 $0x80  }
0x57: {  	[tilespmem:s0], [sflag:$0x2] =	stream.indirect.gather [hbm4b:s1+s31], $0x80, s10, s31, $0xb8;
	[tilespmem:$0x1B000] =	vst v63  }
0x58: {  	_ =	swait.ge [sflag:s29], $0x2800  }
0x59: {  	[sflag:s29] =	ssyncset.done $0x0  }
0x5a: {  	s11 =	simm.s32 $0x1000;
	[sflag:s29] =	ssyncadd.s32 $0xFFFFD800  }
0x5b: {  	[spmem:s2] =	stream.indirect.scatter.add.f32 [tilespmem:s26], [sflag:$0x3], $0x80, s11, s31, $0xb8;
	[tilespmem:$0x1B000] =	vst v63  }
0x5c: {  	_ =	swait.ge [sflag:s28], $0x2800  }
0x5d: {  	[sflag:s28] =	ssyncset.done $0x0  }
0x5e: {  	s12 =	simm.s32 $0x100;
	[sflag:s28] =	ssyncadd.s32 $0xFFFFD800  }
0x5f: {  	[tilespmem:s26], [sflag:$0x1] =	stream.indirect.gather [hbm4b:s1+s31], $0x80, s12, s31, $0xb8;
	[tilespmem:$0x1B000] =	vst v63  }
0x60: {  	_ =	swait.ge [sflag:s3], $0x2800  }
0x61: {  	[sflag:s3] =	ssyncset.done $0x0  }
0x62: {  	s13 =	simm.s32 $0x1080;
	[sflag:s3] =	ssyncadd.s32 $0xFFFFD800  }
0x63: {  	[spmem:s2] =	stream.indirect.scatter.add.f32 [tilespmem:s0], [sflag:$0x3], $0x80, s13, s31, $0xb8;
	[tilespmem:$0x1B000] =	vst v63  }
0x64: {  	_ =	swait.ge [sflag:s28], $0x2800  }
0x65: {  	s9 =	simm.s32 $0x100;
	s10 =	simm.s32 $0x800;
	[sflag:s28] =	ssyncset.done $0x0  }
.LBB2_3:
0x66: {  	s11 =	sadd.s32 $0x80, s9  }
0x67: {  	[sflag:s28] =	ssyncadd.s32 $0xFFFFD800;
	s12 =	smov.u32 s10;
	s13 =	sadd.s32 $0x400, s10  }
0x68: {  	[tilespmem:s0], [sflag:$0x2] =	stream.indirect.gather [hbm4b:s1+s31], $0x80, s11, s31, $0xb8;
	[tilespmem:$0x1B000] =	vst v63  }
0x69: {  	p0 =	sne.s32 s10, $0x2C00;
	_ =	swait.ge [sflag:s29], $0x2800  }
0x6a: {  	[sflag:s29] =	ssyncset.done $0x0  }
0x6b: {  	s10 =	sadd.s32 $0x1000, s9;
	[sflag:s29] =	ssyncadd.s32 $0xFFFFD800  }
0x6c: {  	[spmem:s2] =	stream.indirect.scatter.add.f32 [tilespmem:s26], [sflag:$0x3], $0x80, s10, s31, $0xb8;
	[tilespmem:$0x1B000] =	vst v63  }
0x6d: {  	_ =	swait.ge [sflag:s28], $0x2800  }
0x6e: {  	[sflag:s28] =	ssyncset.done $0x0  }
0x6f: {  	s10 =	sadd.s32 $0x100, s9;
	[sflag:s28] =	ssyncadd.s32 $0xFFFFD800  }
0x70: {  	[tilespmem:s26], [sflag:$0x1] =	stream.indirect.gather [hbm4b:s1+s31], $0x80, s10, s31, $0xb8;
	[tilespmem:$0x1B000] =	vst v63  }
0x71: {  	_ =	swait.ge [sflag:s3], $0x2800  }
.Ltmp0:
0x72: {  	[sflag:s3] =	ssyncset.done $0x0;
	(pc) =	sbr.rel @p0 .LBB2_3-.Ltmp0, $4  }
0x73: {  	s9 =	sadd.s32 $0x1080, s9;
	[sflag:s3] =	ssyncadd.s32 $0xFFFFD800  }
0x74: {  	[spmem:s2] =	stream.indirect.scatter.add.f32 [tilespmem:s0], [sflag:$0x3], $0x80, s9, s31, $0xb8;
	[tilespmem:$0x1B000] =	vst v63  }
0x75: {  	_ =	swait.ge [sflag:s28], $0x2800  }
0x76: {  	s10 =	smov.u32 s13;
	s9 =	sshra.s32 s12, $0x2;
	[sflag:s28] =	ssyncset.done $0x0  }
0x77: {  	s10 =	sadd.s32 $0x80, s9;
	[sflag:s28] =	ssyncadd.s32 $0xFFFFD800  }
0x78: {  	[tilespmem:s0], [sflag:$0x2] =	stream.indirect.gather [hbm4b:s1+s31], $0x80, s10, s31, $0xb8;
	[tilespmem:$0x1B000] =	vst v63  }
0x79: {  	_ =	swait.ge [sflag:s29], $0x2800  }
0x7a: {  	[sflag:s29] =	ssyncset.done $0x0  }
0x7b: {  	s11 =	sadd.s32 $0x1000, s9;
	[sflag:s29] =	ssyncadd.s32 $0xFFFFD800  }
0x7c: {  	[spmem:s2] =	stream.indirect.scatter.add.f32 [tilespmem:s26], [sflag:$0x3], $0x80, s11, s31, $0xb8;
	[tilespmem:$0x1B000] =	vst v63  }
0x7d: {  	_ =	swait.ge [sflag:s28], $0x2800  }
0x7e: {  	[sflag:s28] =	ssyncset.done $0x0  }
0x7f: {  	s12 =	sadd.s32 $0x100, s9;
	[sflag:s28] =	ssyncadd.s32 $0xFFFFD800  }
0x80: {  	[tilespmem:s26], [sflag:$0x1] =	stream.indirect.gather [hbm4b:s1+s31], $0x80, s12, s31, $0xb8;
	[tilespmem:$0x1B000] =	vst v63  }
0x81: {  	_ =	swait.ge [sflag:s3], $0x2800  }
0x82: {  	[sflag:s3] =	ssyncset.done $0x0  }
0x83: {  	s13 =	sadd.s32 $0x1080, s9;
	[sflag:s3] =	ssyncadd.s32 $0xFFFFD800  }
0x84: {  	[spmem:s2] =	stream.indirect.scatter.add.f32 [tilespmem:s0], [sflag:$0x3], $0x80, s13, s31, $0xb8;
	[tilespmem:$0x1B000] =	vst v63  }
0x85: {  	_ =	swait.ge [sflag:s28], $0x2800  }
0x86: {  	[sflag:s28] =	ssyncset.done $0x0  }
0x87: {  	[sflag:s28] =	ssyncadd.s32 $0xFFFFD800  }
0x88: {  	s8 =	sadd.s32 $0x1, s8;
	_ =	swait.ge [sflag:s29], $0x2800  }
0x89: {  	p0 =	sne.s32 s8, $0x5;
	[sflag:s29] =	ssyncset.done $0x0  }
.Ltmp1:
0x8a: {  	[sflag:s29] =	ssyncadd.s32 $0xFFFFD800;
	(pc) =	sbr.rel @p0 .LBB2_2-.Ltmp1, $4  }
0x8b: {  	[spmem:s2] =	stream.indirect.scatter.add.f32 [tilespmem:s26], [sflag:$0x3], $0x80, s6, s31, $0xb8;
	[tilespmem:$0x1B000] =	vst v63  }
0x8c: {  	_ =	swait.ge [sflag:s28], $0x2800  }
0x8d: {  	[sflag:s28] =	ssyncset.done $0x0  }
0x8e: {  	[sflag:s28] =	ssyncadd.s32 $0xFFFFD800  }
0x8f: {  	[bflag:$0x0] =	sbarrier.arrive $0xFFFF  }
0x90: {  	[tilespmem:s26], [sflag:$0x3] =	stream.linear.gather [spmem:s16], $0x2800, $0x38;
	[tilespmem:$0x1B000] =	vst v63  }
0x91: {  	_ =	swait.ge [sflag:s28], $0x2800  }
0x92: {  	[sflag:s28] =	ssyncset.done $0x0  }
0x93: {  	s8 =	rddreg [dreg:$0x4];
	[sflag:s28] =	ssyncadd.s32 $0xFFFFD800  }
0x94: {  	[hbm4b:s8+s4] =	stream.linear.scatter [tilespmem:s26], [sflag:$0x1], $0x2800, $0x38;
	[tilespmem:$0x1B000] =	vst v63  }
0x95: {  	_ = 	snop  }
0x96: {  	[tilespmem:s0], [sflag:$0x3] =	stream.linear.gather [spmem:s17], $0x2800, $0x38;
	[tilespmem:$0x1B000] =	vst v63  }
0x97: {  	_ =	swait.ge [sflag:s28], $0x2800  }
0x98: {  	[sflag:s28] =	ssyncset.done $0x0  }
0x99: {  	s12 =	rddreg [dreg:$0x5];
	[sflag:s28] =	ssyncadd.s32 $0xFFFFD800  }
0x9a: {  	[hbm4b:s12+s4] =	stream.linear.scatter [tilespmem:s0], [sflag:$0x2], $0x2800, $0x38;
	[tilespmem:$0x1B000] =	vst v63  }
0x9b: {  	_ =	swait.ge [sflag:s29], $0x2800  }
0x9c: {  	[sflag:s29] =	ssyncset.done $0x0  }
0x9d: {  	[sflag:s29] =	ssyncadd.s32 $0xFFFFD800  }
0x9e: {  	[tilespmem:s26], [sflag:$0x3] =	stream.linear.gather [spmem:s18], $0x2800, $0x38;
	[tilespmem:$0x1B000] =	vst v63  }
0x9f: {  	_ =	swait.ge [sflag:s28], $0x2800  }
0xa0: {  	[sflag:s28] =	ssyncset.done $0x0  }
0xa1: {  	s13 =	rddreg [dreg:$0x6];
	[sflag:s28] =	ssyncadd.s32 $0xFFFFD800  }
0xa2: {  	[hbm4b:s13+s4] =	stream.linear.scatter [tilespmem:s26], [sflag:$0x1], $0x2800, $0x38;
	[tilespmem:$0x1B000] =	vst v63  }
0xa3: {  	_ =	swait.ge [sflag:s3], $0x2800  }
0xa4: {  	[sflag:s3] =	ssyncset.done $0x0  }
0xa5: {  	[sflag:s3] =	ssyncadd.s32 $0xFFFFD800  }
0xa6: {  	[tilespmem:s0], [sflag:$0x3] =	stream.linear.gather [spmem:s19], $0x2800, $0x38;
	[tilespmem:$0x1B000] =	vst v63  }
0xa7: {  	_ =	swait.ge [sflag:s28], $0x2800  }
0xa8: {  	[sflag:s28] =	ssyncset.done $0x0  }
0xa9: {  	s9 =	rddreg [dreg:$0x7];
	[sflag:s28] =	ssyncadd.s32 $0xFFFFD800  }
0xaa: {  	[hbm4b:s9+s4] =	stream.linear.scatter [tilespmem:s0], [sflag:$0x2], $0x2800, $0x38;
	[tilespmem:$0x1B000] =	vst v63  }
0xab: {  	_ =	swait.ge [sflag:s29], $0x2800  }
0xac: {  	[sflag:s29] =	ssyncset.done $0x0  }
0xad: {  	[sflag:s29] =	ssyncadd.s32 $0xFFFFD800  }
0xae: {  	[tilespmem:s26], [sflag:$0x3] =	stream.linear.gather [spmem:s20], $0x2800, $0x38;
	[tilespmem:$0x1B000] =	vst v63  }
0xaf: {  	_ =	swait.ge [sflag:s28], $0x2800  }
0xb0: {  	[sflag:s28] =	ssyncset.done $0x0  }
0xb1: {  	s10 =	rddreg [dreg:$0x8];
	[sflag:s28] =	ssyncadd.s32 $0xFFFFD800  }
0xb2: {  	[hbm4b:s10+s4] =	stream.linear.scatter [tilespmem:s26], [sflag:$0x1], $0x2800, $0x38;
	[tilespmem:$0x1B000] =	vst v63  }
0xb3: {  	_ =	swait.ge [sflag:s3], $0x2800  }
0xb4: {  	[sflag:s3] =	ssyncset.done $0x0  }
0xb5: {  	[sflag:s3] =	ssyncadd.s32 $0xFFFFD800  }
0xb6: {  	[tilespmem:s0], [sflag:$0x3] =	stream.linear.gather [spmem:s21], $0x2800, $0x38;
	[tilespmem:$0x1B000] =	vst v63  }
0xb7: {  	_ =	swait.ge [sflag:s28], $0x2800  }
0xb8: {  	[sflag:s28] =	ssyncset.done $0x0  }
0xb9: {  	s11 =	rddreg [dreg:$0x9];
	[sflag:s28] =	ssyncadd.s32 $0xFFFFD800  }
0xba: {  	[hbm4b:s11+s4] =	stream.linear.scatter [tilespmem:s0], [sflag:$0x2], $0x2800, $0x38;
	[tilespmem:$0x1B000] =	vst v63  }
0xbb: {  	_ =	swait.ge [sflag:s29], $0x2800  }
0xbc: {  	[sflag:s29] =	ssyncset.done $0x0  }
0xbd: {  	[sflag:s29] =	ssyncadd.s32 $0xFFFFD800  }
0xbe: {  	[tilespmem:s26], [sflag:$0x3] =	stream.linear.gather [spmem:s22], $0x2800, $0x38;
	[tilespmem:$0x1B000] =	vst v63  }
0xbf: {  	_ =	swait.ge [sflag:s28], $0x2800  }
0xc0: {  	[sflag:s28] =	ssyncset.done $0x0  }
0xc1: {  	s12 =	rddreg [dreg:$0xa];
	[sflag:s28] =	ssyncadd.s32 $0xFFFFD800  }
0xc2: {  	[hbm4b:s12+s4] =	stream.linear.scatter [tilespmem:s26], [sflag:$0x1], $0x2800, $0x38;
	[tilespmem:$0x1B000] =	vst v63  }
0xc3: {  	_ =	swait.ge [sflag:s3], $0x2800  }
0xc4: {  	[sflag:s3] =	ssyncset.done $0x0  }
0xc5: {  	[sflag:s3] =	ssyncadd.s32 $0xFFFFD800  }
0xc6: {  	[tilespmem:s0], [sflag:$0x3] =	stream.linear.gather [spmem:s23], $0x2800, $0x38;
	[tilespmem:$0x1B000] =	vst v63  }
0xc7: {  	_ =	swait.ge [sflag:s28], $0x2800  }
0xc8: {  	[sflag:s28] =	ssyncset.done $0x0  }
0xc9: {  	s7 =	sadd.s32 $0x1, s7;
	s13 =	rddreg [dreg:$0xb];
	[sflag:s28] =	ssyncadd.s32 $0xFFFFD800  }
0xca: {  	[hbm4b:s13+s4] =	stream.linear.scatter [tilespmem:s0], [sflag:$0x2], $0x2800, $0x38;
	[tilespmem:$0x1B000] =	vst v63  }
0xcb: {  	p0 =	sne.s32 s7, s25;
	_ =	swait.ge [sflag:s29], $0x2800  }
.Ltmp2:
0xcc: {  	[sflag:s29] =	ssyncset.done $0x0;
	(pc) =	sbr.rel @p0 .LBB2_1-.Ltmp2, $4  }
0xcd: {  	[sflag:s29] =	ssyncadd.s32 $0xFFFFD800  }
0xce: {  	_ =	swait.ge [sflag:s3], $0x2800  }
0xcf: {  	[sflag:s3] =	ssyncset.done $0x0  }
0xd0: {  	[sflag:s3] =	ssyncadd.s32 $0xFFFFD800  }
0xd1: {  	_ =	sfence.sel $0x180000  }
0xd2: {  	[bflag:$0x0] =	sbarrier.arrive $0xFFFF  }
0xd3: {  	_ =	strace $0x9000004A  }
0xd4: {  	s0 =	stileid.u32;
	[bflag:$0x2] =	sbarrier.arrive $0xFFFF  }
0xd5: {  	p0 =	sne.s32 s0, $0x0;
	s0 =	rddreg [dreg:$0x3]  }
0xd6: {  	s0 =	sadd.s32 @!p0 $0x100000, s0  }
0xd7: {  	[sflag:s0] =	ssyncadd.tile.s32 @!p0 $0x1;
	_ =	shalt  }
.Lfunc_end2:
_tile_overlayer_lowered:
.L_overlay_start_2:
0xd8: {  	(tag) =	ssettag $0x2  }
0xd9: {  	s0 =	rddreg [dreg:$0x0];
	s2 =	stileid.u32  }
0xda: {  	s1 =	rddreg [dreg:$0x1];
	p0 =	sne.s32 s2, $0x0  }
0xdb: {  	s3 =	rddreg [dreg:$0x2];
	[bflag:$0x3] =	sbarrier.arrive $0xFFFF;
	s2 =	simm.s32 @!p0 $0x1C03  }
0xdc: {  	[timem:s3], [sflag:s2] =	dma.local @!p0 [hbm:s0], s1  }
0xdd: {  	s0 =	simm.s32 @!p0 $0x3  }
0xde: {  	_ =	swait.ge @!p0 [sflag:s0], s1  }
0xdf: {  	s1 =	ssub.s32 @!p0 $0x0, s1;
	[sflag:s0] =	ssyncset.done @!p0 $0x0  }
0xe0: {  	[sflag:s0] =	ssyncadd.s32 @!p0 s1  }
0xe1: {  	[bflag:$0x3] =	sbarrier.arrive $0xFFFF  }
0xe2: {  	_ =	shalt  }

</sc_bundles>
